<compile_context>
chip_gen: v7x
topology: tpu7x:2x2x1
jax: 0.10.2.dev20260603
libtpu: 0.0.44.dev20260713+nightly
codegen_flags: <defaults>
</compile_context>

<pallas_src>
import functools

import jax
import jax.numpy as jnp
from jax import lax
from jax.experimental import pallas as pl
from jax.experimental.pallas import tpu as pltpu
from jax.experimental.pallas import tpu_sc as plsc

N = 10000
E = 320000
B = 16
NF = 128
EF = 16
UF = 32

NC, NS = 2, 16
NW = NC * NS
NPAD = 10240
RPS = NPAD // NS
GW = 128
HW = 80
CH = 512
KI = CH // 128
NCHUNK = E // CH
EB = 6400
f32 = jnp.float32


def _pre_body(x_ref, u_ref, b_ref, We1_ref, be1_ref, Wn1x_ref, bn1_ref,
              trow_ref, tcol_ref):
    x = x_ref[...]
    We1 = We1_ref[...]
    onehot = (b_ref[...] == lax.broadcasted_iota(jnp.int32, (N, B), 1)
              ).astype(f32)
    uW = jnp.dot(u_ref[...], We1[2 * NF + EF:2 * NF + EF + UF, :],
                 preferred_element_type=f32)
    ta = (jnp.dot(x, We1[0:NF], preferred_element_type=f32)
          + jnp.dot(onehot, uW, preferred_element_type=f32) + be1_ref[...])
    tb = jnp.dot(x, Wn1x_ref[...], preferred_element_type=f32) + bn1_ref[...]
    bf = b_ref[...].astype(f32)
    trow_ref[...] = jnp.concatenate(
        [ta, tb, bf, jnp.zeros((N, GW - 97), f32)], axis=1)
    tcol_ref[...] = jnp.dot(x, We1[NF:2 * NF], preferred_element_type=f32)


def _precompute(x, u, b2d, W_e1, b_e1, W_n1, b_n1):
    return pl.pallas_call(
        _pre_body,
        out_shape=[jax.ShapeDtypeStruct((N, GW), f32),
                   jax.ShapeDtypeStruct((N, UF), f32)],
    )(x, u, b2d, W_e1, b_e1.reshape(1, 32), W_n1[0:NF],
      b_n1.reshape(1, 64))


@functools.lru_cache(maxsize=None)
def _sc_mesh():
    return plsc.VectorSubcoreMesh(core_axis_name="c", subcore_axis_name="s",
                                  num_cores=NC, num_subcores=NS)


@functools.lru_cache(maxsize=None)
def _build_gather1():
    @functools.partial(
        pl.kernel,
        out_type=jax.ShapeDtypeStruct((E, GW), f32),
        mesh=_sc_mesh(),
        scratch_types=[
            pltpu.VMEM((KI, 128), jnp.int32),
            pltpu.VMEM((CH, GW), f32),
            pltpu.SemaphoreType.DMA,
        ],
    )
    def gather1_body(trow_hbm, row_hbm, g1_hbm, idxr_v, r1_v, sem):
        wid = lax.axis_index("s") * NC + lax.axis_index("c")

        @pl.loop(wid, NCHUNK, step=NW)
        def _(c):
            e0 = c * CH
            i0 = c * KI
            pltpu.async_copy(row_hbm.at[pl.ds(i0, KI)], idxr_v, sem).wait()
            cps = [pltpu.async_copy(
                trow_hbm.at[idxr_v.at[j]],
                r1_v.at[pl.ds(j * 128, 128)], sem) for j in range(KI)]
            for cp in cps:
                cp.wait()
            pltpu.async_copy(r1_v, g1_hbm.at[pl.ds(e0, CH)], sem).wait()

    return gather1_body


@functools.lru_cache(maxsize=None)
def _build_gather2():
    @functools.partial(
        pl.kernel,
        out_type=jax.ShapeDtypeStruct((E, UF), f32),
        mesh=_sc_mesh(),
        compiler_params=pltpu.CompilerParams(use_tc_tiling_on_sc=False),
        scratch_types=[
            pltpu.VMEM((KI, 128), jnp.int32),
            pltpu.VMEM((CH, UF), f32),
            pltpu.SemaphoreType.DMA,
        ],
    )
    def gather2_body(tcol_hbm, col_hbm, g2_hbm, idxc_v, r2_v, sem):
        wid = lax.axis_index("s") * NC + lax.axis_index("c")

        @pl.loop(wid, NCHUNK, step=NW)
        def _(c):
            e0 = c * CH
            i0 = c * KI
            pltpu.async_copy(col_hbm.at[pl.ds(i0, KI)], idxc_v, sem).wait()
            cps = [pltpu.async_copy(
                tcol_hbm.at[idxc_v.at[j]],
                r2_v.at[pl.ds(j * 128, 128)], sem) for j in range(KI)]
            for cp in cps:
                cp.wait()
            pltpu.async_copy(r2_v, g2_hbm.at[pl.ds(e0, CH)], sem).wait()

    return gather2_body


def _gather_k(trow, tcol, row2d, col2d):
    g1 = _build_gather1()(trow, row2d)
    g2 = _build_gather2()(tcol, col2d)
    return g1, g2


def _edge_body(g1_ref, g2_ref, eat_ref, We1e_ref, We2_ref, be2_ref, We3_ref,
               be3_ref, be3t_ref, Wn1e_ref, Wn2e_ref, bn2e_ref,
               eoutt_ref, h2_ref, eagg_ref):
    bf16 = jnp.bfloat16
    g1 = g1_ref[...]
    ea_t = eat_ref[...].astype(bf16)
    h = jnp.maximum(
        g1[:, 0:32] + g2_ref[...]
        + lax.dot_general(ea_t, We1e_ref[...].astype(bf16),
                          (((0,), (0,)), ((), ())),
                          preferred_element_type=f32), 0.0)
    h = jnp.maximum(
        jnp.dot(h.astype(bf16), We2_ref[...].astype(bf16),
                preferred_element_type=f32) + be2_ref[...], 0.0)
    hb = h.astype(bf16)
    We3 = We3_ref[...].astype(bf16)
    e_new = jnp.dot(hb, We3, preferred_element_type=f32) + be3_ref[...]
    e_new_t = lax.dot_general(We3, hb, (((0,), (1,)), ((), ())),
                              preferred_element_type=f32)
    eoutt_ref[...] = e_new_t + be3t_ref[...] + eat_ref[...]
    h1 = jnp.maximum(
        g1[:, 32:96] + jnp.dot(e_new.astype(bf16), Wn1e_ref[...].astype(bf16),
                               preferred_element_type=f32), 0.0)
    h2_ref[...] = (jnp.dot(h1.astype(bf16), Wn2e_ref[...].astype(bf16),
                           preferred_element_type=f32) + bn2e_ref[...])
    oh = (g1[:, 96:97].astype(jnp.int32)
          == lax.broadcasted_iota(jnp.int32, (EB, B), 1)).astype(f32)
    ee = jnp.concatenate(
        [e_new, jnp.ones((EB, 1), f32), jnp.zeros((EB, UF - EF - 1), f32)],
        axis=1)
    upd = lax.dot_general(oh, ee, (((0,), (0,)), ((), ())),
                          preferred_element_type=f32)

    @pl.when(pl.program_id(0) == 0)
    def _():
        eagg_ref[...] = upd

    @pl.when(pl.program_id(0) > 0)
    def _():
        eagg_ref[...] += upd


def _edge_mlp(g1, g2, edge_attr_t, We1e, W_e2, b_e2, W_e3, b_e3, Wn1e,
              Wn2e, bn2e):
    full = lambda i: (0, 0)
    return pl.pallas_call(
        _edge_body,
        grid=(E // EB,),
        in_specs=[
            pl.BlockSpec((EB, GW), lambda i: (i, 0)),
            pl.BlockSpec((EB, UF), lambda i: (i, 0)),
            pl.BlockSpec((EF, EB), lambda i: (0, i)),
            pl.BlockSpec((EF, 32), full),
            pl.BlockSpec((32, 32), full),
            pl.BlockSpec((1, 32), full),
            pl.BlockSpec((32, EF), full),
            pl.BlockSpec((1, EF), full),
            pl.BlockSpec((EF, 1), full),
            pl.BlockSpec((EF, 64), full),
            pl.BlockSpec((64, HW), full),
            pl.BlockSpec((1, HW), full),
        ],
        out_specs=[
            pl.BlockSpec((EF, EB), lambda i: (0, i)),
            pl.BlockSpec((EB, HW), lambda i: (i, 0)),
            pl.BlockSpec((B, UF), full),
        ],
        out_shape=[jax.ShapeDtypeStruct((EF, E), f32),
                   jax.ShapeDtypeStruct((E, HW), f32),
                   jax.ShapeDtypeStruct((B, UF), f32)],
    )(g1, g2, edge_attr_t, We1e, W_e2, b_e2, W_e3, b_e3,
      b_e3.reshape(EF, 1), Wn1e, Wn2e, bn2e)


@functools.lru_cache(maxsize=None)
def _build_scatter():
    @functools.partial(
        pl.kernel,
        out_type=jax.ShapeDtypeStruct((NC * NPAD, HW), f32),
        mesh=_sc_mesh(),
        compiler_params=pltpu.CompilerParams(use_tc_tiling_on_sc=False),
        scratch_types=[
            pltpu.VMEM((KI, 128), jnp.int32),
            pltpu.VMEM((CH, HW), f32),
            pltpu.VMEM_SHARED((NPAD, HW), f32),
            pltpu.SemaphoreType.DMA,
        ],
    )
    def scatter_body(h2_hbm, col_hbm, zero_hbm, out_hbm, idx_v, buf_v,
                     acc_sh, sem):
        cid = lax.axis_index("c")
        sid = lax.axis_index("s")
        wid = sid * NC + cid
        r0 = sid * RPS
        pltpu.sync_copy(zero_hbm.at[pl.ds(r0, RPS)],
                        acc_sh.at[pl.ds(r0, RPS)])
        plsc.subcore_barrier()

        @pl.loop(wid, NCHUNK, step=NW)
        def _(c):
            e0 = c * CH
            cpa = pltpu.async_copy(col_hbm.at[pl.ds(c * KI, KI)], idx_v, sem)
            cpb = pltpu.async_copy(h2_hbm.at[pl.ds(e0, CH)], buf_v, sem)
            cpa.wait()
            cpb.wait()
            for j in range(KI):
                pltpu.sync_copy(buf_v.at[pl.ds(j * 128, 128)],
                                acc_sh.at[idx_v.at[j]], add=True)

        plsc.subcore_barrier()
        pltpu.sync_copy(acc_sh.at[pl.ds(r0, RPS)],
                        out_hbm.at[pl.ds(cid * NPAD + r0, RPS)])

    return scatter_body


def _scatter_k(h2, col2d, zeros):
    return _build_scatter()(h2, col2d, zeros)


def _node_body(x_ref, part_ref, u_ref, b_ref, eagg_ref, Wn3_ref, bn3_ref,
               Wn4_ref, bn4_ref, Wg1_ref, bg1_ref, Wg2_ref, bg2_ref,
               xout_ref, uout_ref):
    x = x_ref[...]
    u = u_ref[...]
    p = part_ref[0:N, :] + part_ref[NPAD:NPAD + N, :]
    agg = p[:, 0:64] / jnp.maximum(p[:, 64:65], 1.0)
    onehot = (b_ref[...] == lax.broadcasted_iota(jnp.int32, (N, B), 1)
              ).astype(f32)
    Wn3 = Wn3_ref[...]
    uW = jnp.dot(u, Wn3[NF + 64:NF + 64 + UF], preferred_element_type=f32)
    h = jnp.maximum(
        jnp.dot(x, Wn3[0:NF], preferred_element_type=f32)
        + jnp.dot(agg, Wn3[NF:NF + 64], preferred_element_type=f32)
        + jnp.dot(onehot, uW, preferred_element_type=f32) + bn3_ref[...], 0.0)
    x_new = jnp.dot(h, Wn4_ref[...], preferred_element_type=f32) + bn4_ref[...]
    xout_ref[...] = x_new + x
    xs = jnp.concatenate(
        [x_new, jnp.ones((N, 1), f32), jnp.zeros((N, 15), f32)], axis=1)
    nst = lax.dot_general(onehot, xs, (((0,), (0,)), ((), ())),
                          preferred_element_type=f32)
    n_agg = nst[:, 0:NF] / jnp.maximum(nst[:, NF:NF + 1], 1.0)
    eaggs = eagg_ref[...]
    e_agg = eaggs[:, 0:EF] / jnp.maximum(eaggs[:, EF:EF + 1], 1.0)
    g_in = jnp.concatenate([u, n_agg, e_agg], axis=1)
    hg = jnp.maximum(
        jnp.dot(g_in, Wg1_ref[...], preferred_element_type=f32)
        + bg1_ref[...], 0.0)
    uout_ref[...] = (jnp.dot(hg, Wg2_ref[...], preferred_element_type=f32)
                     + bg2_ref[...] + u)


def _node_global(x, parts, u, b2d, eaggp, W_n3, b_n3, W_n4, b_n4, W_g1, b_g1,
                 W_g2, b_g2):
    return pl.pallas_call(
        _node_body,
        out_shape=[jax.ShapeDtypeStruct((N, NF), f32),
                   jax.ShapeDtypeStruct((B, UF), f32)],
    )(x, parts, u, b2d, eaggp, W_n3, b_n3.reshape(1, 64), W_n4,
      b_n4.reshape(1, NF), W_g1, b_g1.reshape(1, 32), W_g2,
      b_g2.reshape(1, UF))


@jax.jit
def kernel(x, edge_index, edge_attr, u, batch,
           W_e1, b_e1, W_e2, b_e2, W_e3, b_e3,
           W_n1, b_n1, W_n2, b_n2, W_n3, b_n3, W_n4, b_n4,
           W_g1, b_g1, W_g2, b_g2):
    row2d = edge_index[0].reshape(NCHUNK * KI, 128)
    col2d = edge_index[1].reshape(NCHUNK * KI, 128)
    b2d = batch.reshape(N, 1)

    trow, tcol = _precompute(x, u, b2d, W_e1, b_e1, W_n1, b_n1)
    g1, g2 = _gather_k(trow, tcol, row2d, col2d)

    We1e = W_e1[2 * NF:2 * NF + EF]
    Wn1e = W_n1[NF:NF + EF]
    Wn2e = jnp.concatenate([W_n2, jnp.zeros((64, HW - 64), f32)], axis=1)
    bn2e = jnp.concatenate(
        [b_n2, jnp.ones((1,), f32), jnp.zeros((HW - 65,), f32)]
    ).reshape(1, HW)
    eout_t, h2, eaggp = _edge_mlp(g1, g2, edge_attr.T, We1e, W_e2,
                                  b_e2.reshape(1, 32), W_e3,
                                  b_e3.reshape(1, EF), Wn1e, Wn2e, bn2e)
    eout = eout_t.T

    zeros = jnp.zeros((NPAD, HW), f32)
    parts = _scatter_k(h2, col2d, zeros)

    xout, uout = _node_global(x, parts, u, b2d, eaggp, W_n3, b_n3, W_n4,
                              b_n4, W_g1, b_g1, W_g2, b_g2)
    return xout, eout, uout

# --- scband reference (transcript-rebuilt; emitter-appended) ---
"""Pipeline reference for scband-graph-net-55499567399389 (READ-ONLY COPY).

The authoritative reference and input builder live on the scoring server;
editing this copy changes nothing except your own understanding.
"""

import jax, jax.numpy as jnp
import numpy as np

N, E, B = 10000, 320000, 16
N_INC, E_INC, U_INC = 128, 16, 32


def segment_mean(data, seg, num_segments):
    s = jax.ops.segment_sum(data, seg, num_segments=num_segments)
    c = jax.ops.segment_sum(jnp.ones((data.shape[0],), data.dtype), seg, num_segments=num_segments)
    return s / jnp.clip(c, 1.0)[:, None]


def _param(key, shape):
    return jax.random.normal(key, shape, dtype=jnp.float32) * 0.05


PARAM_SHAPES = {
    'W_e1': (2 * N_INC + E_INC + U_INC, 32), 'b_e1': (32,),
    'W_e2': (32, 32), 'b_e2': (32,),
    'W_e3': (32, E_INC), 'b_e3': (E_INC,),
    'W_n1': (N_INC + E_INC, 64), 'b_n1': (64,),
    'W_n2': (64, 64), 'b_n2': (64,),
    'W_n3': (N_INC + 64 + U_INC, 64), 'b_n3': (64,),
    'W_n4': (64, N_INC), 'b_n4': (N_INC,),
    'W_g1': (U_INC + N_INC + E_INC, 32), 'b_g1': (32,),
    'W_g2': (32, U_INC), 'b_g2': (U_INC,),
}


def setup_inputs(seed: int = 0) -> dict:
    key = jax.random.key(seed)
    ks = jax.random.split(key, 32)
    inp = {}
    inp['x'] = jax.random.normal(ks[0], (N, N_INC), dtype=jnp.float32)
    inp['edge_index'] = jax.random.randint(ks[1], (2, E), 0, N, dtype=jnp.int32)
    inp['edge_attr'] = jax.random.normal(ks[2], (E, E_INC), dtype=jnp.float32)
    inp['u'] = jax.random.normal(ks[3], (B, U_INC), dtype=jnp.float32)
    inp['batch'] = jnp.sort(jax.random.randint(ks[4], (N,), 0, B, dtype=jnp.int32))
    for i, (name, shp) in enumerate(PARAM_SHAPES.items()):
        inp[name] = _param(ks[5 + i], shp)
    return inp


def reference(x, edge_index, edge_attr, u, batch, W_e1, b_e1, W_e2, b_e2, W_e3, b_e3, W_n1, b_n1, W_n2, b_n2, W_n3, b_n3, W_n4, b_n4, W_g1, b_g1, W_g2, b_g2):
    n_nodes = x.shape[0]
    n_graphs = u.shape[0]
    row, col = edge_index[0], edge_index[1]
    # EdgeModel: cat([src, dest, edge_attr, u[batch[row]]]) -> 3-layer MLP
    e_in = jnp.concatenate([x[row], x[col], edge_attr, u[batch[row]]], axis=1)
    h = jax.nn.relu(e_in @ W_e1 + b_e1)
    h = jax.nn.relu(h @ W_e2 + b_e2)
    e_new = h @ W_e3 + b_e3
    # NodeModel: mlp1 over [x[row], edge_attr_new], scatter_mean to dst, mlp2 over [x, agg, u[batch]]
    se = jnp.concatenate([x[row], e_new], axis=1)
    h = jax.nn.relu(se @ W_n1 + b_n1)
    h = h @ W_n2 + b_n2
    agg = segment_mean(h, col, n_nodes)
    n_in = jnp.concatenate([x, agg, u[batch]], axis=1)
    h = jax.nn.relu(n_in @ W_n3 + b_n3)
    x_new = h @ W_n4 + b_n4
    # GlobalModel: per-graph means of edges and nodes, cat with u, 2-layer MLP
    e_agg = segment_mean(e_new, batch[row], n_graphs)
    n_agg = segment_mean(x_new, batch, n_graphs)
    g_in = jnp.concatenate([u, n_agg, e_agg], axis=1)
    h = jax.nn.relu(g_in @ W_g1 + b_g1)
    u_new = h @ W_g2 + b_g2
    # GraphNet residual connections
    return (x_new + x, e_new + edge_attr, u_new + u)

if __name__ == "__main__":
    import jax
    _d = setup_inputs()
    print(jax.jit(kernel)(*tuple(_d.values())))

</pallas_src>

<mosaic_0001>
#map = affine_map<(d0, d1) -> (0, 0)>
module attributes {stable_mosaic.version = 14 : i64} {
  func.func @gather2_body(%arg0: i32, %arg1: i32, %arg2: memref<10000x32xf32, #tpu.memory_space<hbm>>, %arg3: memref<2500x128xi32, #tpu.memory_space<hbm>>, %arg4: memref<320000x32xf32, #tpu.memory_space<hbm>>, %arg5: memref<4x128xi32, #tpu.memory_space<vmem>>, %arg6: memref<512x32xf32, #tpu.memory_space<vmem>>, %arg7: memref<!tpu.dma_semaphore, #tpu.memory_space<semaphore_mem>>) attributes {dimension_semantics = [#tpu.dimension_semantics<core_parallel>, #tpu.dimension_semantics<subcore_parallel>], iteration_bounds = array<i64: 2, 16>, scalar_prefetch = 0 : i64, scratch_operands = 3 : i64, tpu.core_type = #tpu.core_type<sc_vector_subcore>, window_params = [{transform_indices = #map}, {transform_indices = #map}, {transform_indices = #map}]} {
    %mul3A = arith.constant 2 : i32
    %mul3A_0 = arith.muli %arg1, %mul3A : i32
    %add3A = arith.addi %mul3A_0, %arg0 : i32
    %sub3A = arith.constant 625 : i32
    %sub3A_1 = arith.subi %sub3A, %add3A : i32
    %sub3A_2 = arith.constant 32 : i32
    %sub3A_3 = arith.constant 1 : i32
    %sub3A_4 = arith.subi %sub3A_2, %sub3A_3 : i32
    %add3A_5 = arith.addi %sub3A_1, %sub3A_4 : i32
    %div3A = arith.constant 32 : i32
    %div3A_6 = arith.divsi %add3A_5, %div3A : i32
    %while3A = arith.constant 32 : i32
    %while3A_7 = arith.constant 0 : i32
    %while3A_8 = arith.subi %div3A_6, %while3A_7 : i32
    %while3A_9 = arith.addi %while3A_7, %while3A_8 : i32
    %while3A_10 = arith.constant 1 : i32
    %while3A_11 = arith.divsi %while3A_8, %while3A_10 : i32
    %while3A_12 = arith.muli %while3A_11, %while3A_10 : i32
    %while3A_13 = arith.addi %while3A_7, %while3A_12 : i32
    %while3A_14 = arith.constant 1 : i32
    scf.for %while3A_16 = %while3A_7 to %while3A_13 step %while3A_14  : i32 {
      %mul3A_17 = arith.muli %while3A_16, %while3A : i32
      %add3A_18 = arith.addi %add3A, %mul3A_17 : i32
      %mul3A_19 = arith.constant 512 : i32
      %mul3A_20 = arith.muli %add3A_18, %mul3A_19 : i32
      %mul3A_21 = arith.constant 4 : i32
      %mul3A_22 = arith.muli %add3A_18, %mul3A_21 : i32
      %dma_start3A = arith.constant 0 : i32
      %dma_start3A_23 = tpu.memref_slice %arg3[%mul3A_22, %dma_start3A] : memref<2500x128xi32, #tpu.memory_space<hbm>> -> memref<4x128xi32, #tpu.memory_space<hbm>>
      %dma_start3A_24 = arith.constant 0 : i32
      %dma_start3A_25 = tpu.memref_slice %arg3[%mul3A_22, %dma_start3A_24] : memref<2500x128xi32, #tpu.memory_space<hbm>> -> memref<4x128xi32, #tpu.memory_space<hbm>>
      tpu.enqueue_dma source(%dma_start3A_25 : memref<4x128xi32, #tpu.memory_space<hbm>>) target(%arg5 : memref<4x128xi32, #tpu.memory_space<vmem>>) target_semaphore(%arg7 : memref<!tpu.dma_semaphore, #tpu.memory_space<semaphore_mem>>)
      %dma_wait3A = arith.constant 0 : i32
      %dma_wait3A_26 = tpu.memref_slice %arg3[%mul3A_22, %dma_wait3A] : memref<2500x128xi32, #tpu.memory_space<hbm>> -> memref<4x128xi32, #tpu.memory_space<hbm>>
      %dma_wait3A_27 = arith.constant 0 : i32
      %dma_wait3A_28 = tpu.memref_slice %arg3[%mul3A_22, %dma_wait3A_27] : memref<2500x128xi32, #tpu.memory_space<hbm>> -> memref<4x128xi32, #tpu.memory_space<hbm>>
      tpu.wait_dma2 semaphore(%arg7 : memref<!tpu.dma_semaphore, #tpu.memory_space<semaphore_mem>>) src(%dma_wait3A_28 : memref<4x128xi32, #tpu.memory_space<hbm>>) dst(%arg5 : memref<4x128xi32, #tpu.memory_space<vmem>>)
      %dma_start3A_29 = arith.constant 0 : i32
      %dma_start3A_30 = arith.constant 0 : i32
      %dma_start3A_31 = arith.constant 0 : i32
      %dma_start3A_32 = tpu.memref_slice %arg6[%dma_start3A_30, %dma_start3A_31] : memref<512x32xf32, #tpu.memory_space<vmem>> -> memref<128x32xf32, #tpu.memory_space<vmem>>
      %dma_start3A_33 = arith.constant 0 : i32
      %dma_start3A_34 = tpu.memref_slice %arg5[%dma_start3A_29, %dma_start3A_33] : memref<4x128xi32, #tpu.memory_space<vmem>> -> memref<1x128xi32, #tpu.memory_space<vmem>>
      %dma_start3A_35 = tpu.memref_squeeze %dma_start3A_34 : memref<1x128xi32, #tpu.memory_space<vmem>> -> memref<128xi32, #tpu.memory_space<vmem>>
      %dma_start3A_36 = arith.constant 0 : i32
      %dma_start3A_37 = arith.constant 0 : i32
      %dma_start3A_38 = tpu.memref_slice %arg2[%dma_start3A_36, %dma_start3A_37] : memref<10000x32xf32, #tpu.memory_space<hbm>> -> memref<10000x32xf32, #tpu.memory_space<hbm>>
      tpu.enqueue_indirect_dma source(%dma_start3A_38 : memref<10000x32xf32, #tpu.memory_space<hbm>>) target(%dma_start3A_32 : memref<128x32xf32, #tpu.memory_space<vmem>>) offsets(%dma_start3A_35 : memref<128xi32, #tpu.memory_space<vmem>>) semaphore(%arg7 : memref<!tpu.dma_semaphore, #tpu.memory_space<semaphore_mem>>)
      %dma_start3A_39 = arith.constant 1 : i32
      %dma_start3A_40 = arith.constant 128 : i32
      %dma_start3A_41 = arith.constant 0 : i32
      %dma_start3A_42 = tpu.memref_slice %arg6[%dma_start3A_40, %dma_start3A_41] : memref<512x32xf32, #tpu.memory_space<vmem>> -> memref<128x32xf32, #tpu.memory_space<vmem>>
      %dma_start3A_43 = arith.constant 0 : i32
      %dma_start3A_44 = tpu.memref_slice %arg5[%dma_start3A_39, %dma_start3A_43] : memref<4x128xi32, #tpu.memory_space<vmem>> -> memref<1x128xi32, #tpu.memory_space<vmem>>
      %dma_start3A_45 = tpu.memref_squeeze %dma_start3A_44 : memref<1x128xi32, #tpu.memory_space<vmem>> -> memref<128xi32, #tpu.memory_space<vmem>>
      %dma_start3A_46 = arith.constant 0 : i32
      %dma_start3A_47 = arith.constant 0 : i32
      %dma_start3A_48 = tpu.memref_slice %arg2[%dma_start3A_46, %dma_start3A_47] : memref<10000x32xf32, #tpu.memory_space<hbm>> -> memref<10000x32xf32, #tpu.memory_space<hbm>>
      tpu.enqueue_indirect_dma source(%dma_start3A_48 : memref<10000x32xf32, #tpu.memory_space<hbm>>) target(%dma_start3A_42 : memref<128x32xf32, #tpu.memory_space<vmem>>) offsets(%dma_start3A_45 : memref<128xi32, #tpu.memory_space<vmem>>) semaphore(%arg7 : memref<!tpu.dma_semaphore, #tpu.memory_space<semaphore_mem>>)
      %dma_start3A_49 = arith.constant 2 : i32
      %dma_start3A_50 = arith.constant 256 : i32
      %dma_start3A_51 = arith.constant 0 : i32
      %dma_start3A_52 = tpu.memref_slice %arg6[%dma_start3A_50, %dma_start3A_51] : memref<512x32xf32, #tpu.memory_space<vmem>> -> memref<128x32xf32, #tpu.memory_space<vmem>>
      %dma_start3A_53 = arith.constant 0 : i32
      %dma_start3A_54 = tpu.memref_slice %arg5[%dma_start3A_49, %dma_start3A_53] : memref<4x128xi32, #tpu.memory_space<vmem>> -> memref<1x128xi32, #tpu.memory_space<vmem>>
      %dma_start3A_55 = tpu.memref_squeeze %dma_start3A_54 : memref<1x128xi32, #tpu.memory_space<vmem>> -> memref<128xi32, #tpu.memory_space<vmem>>
      %dma_start3A_56 = arith.constant 0 : i32
      %dma_start3A_57 = arith.constant 0 : i32
      %dma_start3A_58 = tpu.memref_slice %arg2[%dma_start3A_56, %dma_start3A_57] : memref<10000x32xf32, #tpu.memory_space<hbm>> -> memref<10000x32xf32, #tpu.memory_space<hbm>>
      tpu.enqueue_indirect_dma source(%dma_start3A_58 : memref<10000x32xf32, #tpu.memory_space<hbm>>) target(%dma_start3A_52 : memref<128x32xf32, #tpu.memory_space<vmem>>) offsets(%dma_start3A_55 : memref<128xi32, #tpu.memory_space<vmem>>) semaphore(%arg7 : memref<!tpu.dma_semaphore, #tpu.memory_space<semaphore_mem>>)
      %dma_start3A_59 = arith.constant 3 : i32
      %dma_start3A_60 = arith.constant 384 : i32
      %dma_start3A_61 = arith.constant 0 : i32
      %dma_start3A_62 = tpu.memref_slice %arg6[%dma_start3A_60, %dma_start3A_61] : memref<512x32xf32, #tpu.memory_space<vmem>> -> memref<128x32xf32, #tpu.memory_space<vmem>>
      %dma_start3A_63 = arith.constant 0 : i32
      %dma_start3A_64 = tpu.memref_slice %arg5[%dma_start3A_59, %dma_start3A_63] : memref<4x128xi32, #tpu.memory_space<vmem>> -> memref<1x128xi32, #tpu.memory_space<vmem>>
      %dma_start3A_65 = tpu.memref_squeeze %dma_start3A_64 : memref<1x128xi32, #tpu.memory_space<vmem>> -> memref<128xi32, #tpu.memory_space<vmem>>
      %dma_start3A_66 = arith.constant 0 : i32
      %dma_start3A_67 = arith.constant 0 : i32
      %dma_start3A_68 = tpu.memref_slice %arg2[%dma_start3A_66, %dma_start3A_67] : memref<10000x32xf32, #tpu.memory_space<hbm>> -> memref<10000x32xf32, #tpu.memory_space<hbm>>
      tpu.enqueue_indirect_dma source(%dma_start3A_68 : memref<10000x32xf32, #tpu.memory_space<hbm>>) target(%dma_start3A_62 : memref<128x32xf32, #tpu.memory_space<vmem>>) offsets(%dma_start3A_65 : memref<128xi32, #tpu.memory_space<vmem>>) semaphore(%arg7 : memref<!tpu.dma_semaphore, #tpu.memory_space<semaphore_mem>>)
      %dma_wait3A_69 = arith.constant 0 : i32
      %dma_wait3A_70 = arith.constant 0 : i32
      %dma_wait3A_71 = arith.constant 0 : i32
      %dma_wait3A_72 = tpu.memref_slice %arg6[%dma_wait3A_70, %dma_wait3A_71] : memref<512x32xf32, #tpu.memory_space<vmem>> -> memref<128x32xf32, #tpu.memory_space<vmem>>
      %dma_wait3A_73 = arith.constant 0 : i32
      %dma_wait3A_74 = tpu.memref_slice %arg5[%dma_wait3A_69, %dma_wait3A_73] : memref<4x128xi32, #tpu.memory_space<vmem>> -> memref<1x128xi32, #tpu.memory_space<vmem>>
      %dma_wait3A_75 = tpu.memref_squeeze %dma_wait3A_74 : memref<1x128xi32, #tpu.memory_space<vmem>> -> memref<128xi32, #tpu.memory_space<vmem>>
      %dma_wait3A_76 = arith.constant 0 : i32
      %dma_wait3A_77 = arith.constant 0 : i32
      %dma_wait3A_78 = tpu.memref_slice %arg2[%dma_wait3A_76, %dma_wait3A_77] : memref<10000x32xf32, #tpu.memory_space<hbm>> -> memref<10000x32xf32, #tpu.memory_space<hbm>>
      tpu.wait_indirect_dma semaphore(%arg7 : memref<!tpu.dma_semaphore, #tpu.memory_space<semaphore_mem>>) src(%dma_wait3A_78 : memref<10000x32xf32, #tpu.memory_space<hbm>>) dst(%dma_wait3A_72 : memref<128x32xf32, #tpu.memory_space<vmem>>)
      %dma_wait3A_79 = arith.constant 1 : i32
      %dma_wait3A_80 = arith.constant 128 : i32
      %dma_wait3A_81 = arith.constant 0 : i32
      %dma_wait3A_82 = tpu.memref_slice %arg6[%dma_wait3A_80, %dma_wait3A_81] : memref<512x32xf32, #tpu.memory_space<vmem>> -> memref<128x32xf32, #tpu.memory_space<vmem>>
      %dma_wait3A_83 = arith.constant 0 : i32
      %dma_wait3A_84 = tpu.memref_slice %arg5[%dma_wait3A_79, %dma_wait3A_83] : memref<4x128xi32, #tpu.memory_space<vmem>> -> memref<1x128xi32, #tpu.memory_space<vmem>>
      %dma_wait3A_85 = tpu.memref_squeeze %dma_wait3A_84 : memref<1x128xi32, #tpu.memory_space<vmem>> -> memref<128xi32, #tpu.memory_space<vmem>>
      %dma_wait3A_86 = arith.constant 0 : i32
      %dma_wait3A_87 = arith.constant 0 : i32
      %dma_wait3A_88 = tpu.memref_slice %arg2[%dma_wait3A_86, %dma_wait3A_87] : memref<10000x32xf32, #tpu.memory_space<hbm>> -> memref<10000x32xf32, #tpu.memory_space<hbm>>
      tpu.wait_indirect_dma semaphore(%arg7 : memref<!tpu.dma_semaphore, #tpu.memory_space<semaphore_mem>>) src(%dma_wait3A_88 : memref<10000x32xf32, #tpu.memory_space<hbm>>) dst(%dma_wait3A_82 : memref<128x32xf32, #tpu.memory_space<vmem>>)
      %dma_wait3A_89 = arith.constant 2 : i32
      %dma_wait3A_90 = arith.constant 256 : i32
      %dma_wait3A_91 = arith.constant 0 : i32
      %dma_wait3A_92 = tpu.memref_slice %arg6[%dma_wait3A_90, %dma_wait3A_91] : memref<512x32xf32, #tpu.memory_space<vmem>> -> memref<128x32xf32, #tpu.memory_space<vmem>>
      %dma_wait3A_93 = arith.constant 0 : i32
      %dma_wait3A_94 = tpu.memref_slice %arg5[%dma_wait3A_89, %dma_wait3A_93] : memref<4x128xi32, #tpu.memory_space<vmem>> -> memref<1x128xi32, #tpu.memory_space<vmem>>
      %dma_wait3A_95 = tpu.memref_squeeze %dma_wait3A_94 : memref<1x128xi32, #tpu.memory_space<vmem>> -> memref<128xi32, #tpu.memory_space<vmem>>
      %dma_wait3A_96 = arith.constant 0 : i32
      %dma_wait3A_97 = arith.constant 0 : i32
      %dma_wait3A_98 = tpu.memref_slice %arg2[%dma_wait3A_96, %dma_wait3A_97] : memref<10000x32xf32, #tpu.memory_space<hbm>> -> memref<10000x32xf32, #tpu.memory_space<hbm>>
      tpu.wait_indirect_dma semaphore(%arg7 : memref<!tpu.dma_semaphore, #tpu.memory_space<semaphore_mem>>) src(%dma_wait3A_98 : memref<10000x32xf32, #tpu.memory_space<hbm>>) dst(%dma_wait3A_92 : memref<128x32xf32, #tpu.memory_space<vmem>>)
      %dma_wait3A_99 = arith.constant 3 : i32
      %dma_wait3A_100 = arith.constant 384 : i32
      %dma_wait3A_101 = arith.constant 0 : i32
      %dma_wait3A_102 = tpu.memref_slice %arg6[%dma_wait3A_100, %dma_wait3A_101] : memref<512x32xf32, #tpu.memory_space<vmem>> -> memref<128x32xf32, #tpu.memory_space<vmem>>
      %dma_wait3A_103 = arith.constant 0 : i32
      %dma_wait3A_104 = tpu.memref_slice %arg5[%dma_wait3A_99, %dma_wait3A_103] : memref<4x128xi32, #tpu.memory_space<vmem>> -> memref<1x128xi32, #tpu.memory_space<vmem>>
      %dma_wait3A_105 = tpu.memref_squeeze %dma_wait3A_104 : memref<1x128xi32, #tpu.memory_space<vmem>> -> memref<128xi32, #tpu.memory_space<vmem>>
      %dma_wait3A_106 = arith.constant 0 : i32
      %dma_wait3A_107 = arith.constant 0 : i32
      %dma_wait3A_108 = tpu.memref_slice %arg2[%dma_wait3A_106, %dma_wait3A_107] : memref<10000x32xf32, #tpu.memory_space<hbm>> -> memref<10000x32xf32, #tpu.memory_space<hbm>>
      tpu.wait_indirect_dma semaphore(%arg7 : memref<!tpu.dma_semaphore, #tpu.memory_space<semaphore_mem>>) src(%dma_wait3A_108 : memref<10000x32xf32, #tpu.memory_space<hbm>>) dst(%dma_wait3A_102 : memref<128x32xf32, #tpu.memory_space<vmem>>)
      %dma_start3A_109 = arith.constant 0 : i32
      %dma_start3A_110 = tpu.memref_slice %arg4[%mul3A_20, %dma_start3A_109] : memref<320000x32xf32, #tpu.memory_space<hbm>> -> memref<512x32xf32, #tpu.memory_space<hbm>>
      %dma_start3A_111 = arith.constant 0 : i32
      %dma_start3A_112 = tpu.memref_slice %arg4[%mul3A_20, %dma_start3A_111] : memref<320000x32xf32, #tpu.memory_space<hbm>> -> memref<512x32xf32, #tpu.memory_space<hbm>>
      tpu.enqueue_dma source(%arg6 : memref<512x32xf32, #tpu.memory_space<vmem>>) target(%dma_start3A_112 : memref<512x32xf32, #tpu.memory_space<hbm>>) target_semaphore(%arg7 : memref<!tpu.dma_semaphore, #tpu.memory_space<semaphore_mem>>)
      %dma_wait3A_113 = arith.constant 0 : i32
      %dma_wait3A_114 = tpu.memref_slice %arg4[%mul3A_20, %dma_wait3A_113] : memref<320000x32xf32, #tpu.memory_space<hbm>> -> memref<512x32xf32, #tpu.memory_space<hbm>>
      %dma_wait3A_115 = arith.constant 0 : i32
      %dma_wait3A_116 = tpu.memref_slice %arg4[%mul3A_20, %dma_wait3A_115] : memref<320000x32xf32, #tpu.memory_space<hbm>> -> memref<512x32xf32, #tpu.memory_space<hbm>>
      tpu.wait_dma2 semaphore(%arg7 : memref<!tpu.dma_semaphore, #tpu.memory_space<semaphore_mem>>) src(%arg6 : memref<512x32xf32, #tpu.memory_space<vmem>>) dst(%dma_wait3A_116 : memref<512x32xf32, #tpu.memory_space<hbm>>)
    }
    %while3A_15 = arith.constant 1 : i32
    scf.for %while3A_16 = %while3A_13 to %while3A_9 step %while3A_15  : i32 {
      %mul3A_17 = arith.muli %while3A_16, %while3A : i32
      %add3A_18 = arith.addi %add3A, %mul3A_17 : i32
      %mul3A_19 = arith.constant 512 : i32
      %mul3A_20 = arith.muli %add3A_18, %mul3A_19 : i32
      %mul3A_21 = arith.constant 4 : i32
      %mul3A_22 = arith.muli %add3A_18, %mul3A_21 : i32
      %dma_start3A = arith.constant 0 : i32
      %dma_start3A_23 = tpu.memref_slice %arg3[%mul3A_22, %dma_start3A] : memref<2500x128xi32, #tpu.memory_space<hbm>> -> memref<4x128xi32, #tpu.memory_space<hbm>>
      %dma_start3A_24 = arith.constant 0 : i32
      %dma_start3A_25 = tpu.memref_slice %arg3[%mul3A_22, %dma_start3A_24] : memref<2500x128xi32, #tpu.memory_space<hbm>> -> memref<4x128xi32, #tpu.memory_space<hbm>>
      tpu.enqueue_dma source(%dma_start3A_25 : memref<4x128xi32, #tpu.memory_space<hbm>>) target(%arg5 : memref<4x128xi32, #tpu.memory_space<vmem>>) target_semaphore(%arg7 : memref<!tpu.dma_semaphore, #tpu.memory_space<semaphore_mem>>)
      %dma_wait3A = arith.constant 0 : i32
      %dma_wait3A_26 = tpu.memref_slice %arg3[%mul3A_22, %dma_wait3A] : memref<2500x128xi32, #tpu.memory_space<hbm>> -> memref<4x128xi32, #tpu.memory_space<hbm>>
      %dma_wait3A_27 = arith.constant 0 : i32
      %dma_wait3A_28 = tpu.memref_slice %arg3[%mul3A_22, %dma_wait3A_27] : memref<2500x128xi32, #tpu.memory_space<hbm>> -> memref<4x128xi32, #tpu.memory_space<hbm>>
      tpu.wait_dma2 semaphore(%arg7 : memref<!tpu.dma_semaphore, #tpu.memory_space<semaphore_mem>>) src(%dma_wait3A_28 : memref<4x128xi32, #tpu.memory_space<hbm>>) dst(%arg5 : memref<4x128xi32, #tpu.memory_space<vmem>>)
      %dma_start3A_29 = arith.constant 0 : i32
      %dma_start3A_30 = arith.constant 0 : i32
      %dma_start3A_31 = arith.constant 0 : i32
      %dma_start3A_32 = tpu.memref_slice %arg6[%dma_start3A_30, %dma_start3A_31] : memref<512x32xf32, #tpu.memory_space<vmem>> -> memref<128x32xf32, #tpu.memory_space<vmem>>
      %dma_start3A_33 = arith.constant 0 : i32
      %dma_start3A_34 = tpu.memref_slice %arg5[%dma_start3A_29, %dma_start3A_33] : memref<4x128xi32, #tpu.memory_space<vmem>> -> memref<1x128xi32, #tpu.memory_space<vmem>>
      %dma_start3A_35 = tpu.memref_squeeze %dma_start3A_34 : memref<1x128xi32, #tpu.memory_space<vmem>> -> memref<128xi32, #tpu.memory_space<vmem>>
      %dma_start3A_36 = arith.constant 0 : i32
      %dma_start3A_37 = arith.constant 0 : i32
      %dma_start3A_38 = tpu.memref_slice %arg2[%dma_start3A_36, %dma_start3A_37] : memref<10000x32xf32, #tpu.memory_space<hbm>> -> memref<10000x32xf32, #tpu.memory_space<hbm>>
      tpu.enqueue_indirect_dma source(%dma_start3A_38 : memref<10000x32xf32, #tpu.memory_space<hbm>>) target(%dma_start3A_32 : memref<128x32xf32, #tpu.memory_space<vmem>>) offsets(%dma_start3A_35 : memref<128xi32, #tpu.memory_space<vmem>>) semaphore(%arg7 : memref<!tpu.dma_semaphore, #tpu.memory_space<semaphore_mem>>)
      %dma_start3A_39 = arith.constant 1 : i32
      %dma_start3A_40 = arith.constant 128 : i32
      %dma_start3A_41 = arith.constant 0 : i32
      %dma_start3A_42 = tpu.memref_slice %arg6[%dma_start3A_40, %dma_start3A_41] : memref<512x32xf32, #tpu.memory_space<vmem>> -> memref<128x32xf32, #tpu.memory_space<vmem>>
      %dma_start3A_43 = arith.constant 0 : i32
      %dma_start3A_44 = tpu.memref_slice %arg5[%dma_start3A_39, %dma_start3A_43] : memref<4x128xi32, #tpu.memory_space<vmem>> -> memref<1x128xi32, #tpu.memory_space<vmem>>
      %dma_start3A_45 = tpu.memref_squeeze %dma_start3A_44 : memref<1x128xi32, #tpu.memory_space<vmem>> -> memref<128xi32, #tpu.memory_space<vmem>>
      %dma_start3A_46 = arith.constant 0 : i32
      %dma_start3A_47 = arith.constant 0 : i32
      %dma_start3A_48 = tpu.memref_slice %arg2[%dma_start3A_46, %dma_start3A_47] : memref<10000x32xf32, #tpu.memory_space<hbm>> -> memref<10000x32xf32, #tpu.memory_space<hbm>>
      tpu.enqueue_indirect_dma source(%dma_start3A_48 : memref<10000x32xf32, #tpu.memory_space<hbm>>) target(%dma_start3A_42 : memref<128x32xf32, #tpu.memory_space<vmem>>) offsets(%dma_start3A_45 : memref<128xi32, #tpu.memory_space<vmem>>) semaphore(%arg7 : memref<!tpu.dma_semaphore, #tpu.memory_space<semaphore_mem>>)
      %dma_start3A_49 = arith.constant 2 : i32
      %dma_start3A_50 = arith.constant 256 : i32
      %dma_start3A_51 = arith.constant 0 : i32
      %dma_start3A_52 = tpu.memref_slice %arg6[%dma_start3A_50, %dma_start3A_51] : memref<512x32xf32, #tpu.memory_space<vmem>> -> memref<128x32xf32, #tpu.memory_space<vmem>>
      %dma_start3A_53 = arith.constant 0 : i32
      %dma_start3A_54 = tpu.memref_slice %arg5[%dma_start3A_49, %dma_start3A_53] : memref<4x128xi32, #tpu.memory_space<vmem>> -> memref<1x128xi32, #tpu.memory_space<vmem>>
      %dma_start3A_55 = tpu.memref_squeeze %dma_start3A_54 : memref<1x128xi32, #tpu.memory_space<vmem>> -> memref<128xi32, #tpu.memory_space<vmem>>
      %dma_start3A_56 = arith.constant 0 : i32
      %dma_start3A_57 = arith.constant 0 : i32
      %dma_start3A_58 = tpu.memref_slice %arg2[%dma_start3A_56, %dma_start3A_57] : memref<10000x32xf32, #tpu.memory_space<hbm>> -> memref<10000x32xf32, #tpu.memory_space<hbm>>
      tpu.enqueue_indirect_dma source(%dma_start3A_58 : memref<10000x32xf32, #tpu.memory_space<hbm>>) target(%dma_start3A_52 : memref<128x32xf32, #tpu.memory_space<vmem>>) offsets(%dma_start3A_55 : memref<128xi32, #tpu.memory_space<vmem>>) semaphore(%arg7 : memref<!tpu.dma_semaphore, #tpu.memory_space<semaphore_mem>>)
      %dma_start3A_59 = arith.constant 3 : i32
      %dma_start3A_60 = arith.constant 384 : i32
      %dma_start3A_61 = arith.constant 0 : i32
      %dma_start3A_62 = tpu.memref_slice %arg6[%dma_start3A_60, %dma_start3A_61] : memref<512x32xf32, #tpu.memory_space<vmem>> -> memref<128x32xf32, #tpu.memory_space<vmem>>
      %dma_start3A_63 = arith.constant 0 : i32
      %dma_start3A_64 = tpu.memref_slice %arg5[%dma_start3A_59, %dma_start3A_63] : memref<4x128xi32, #tpu.memory_space<vmem>> -> memref<1x128xi32, #tpu.memory_space<vmem>>
      %dma_start3A_65 = tpu.memref_squeeze %dma_start3A_64 : memref<1x128xi32, #tpu.memory_space<vmem>> -> memref<128xi32, #tpu.memory_space<vmem>>
      %dma_start3A_66 = arith.constant 0 : i32
      %dma_start3A_67 = arith.constant 0 : i32
      %dma_start3A_68 = tpu.memref_slice %arg2[%dma_start3A_66, %dma_start3A_67] : memref<10000x32xf32, #tpu.memory_space<hbm>> -> memref<10000x32xf32, #tpu.memory_space<hbm>>
      tpu.enqueue_indirect_dma source(%dma_start3A_68 : memref<10000x32xf32, #tpu.memory_space<hbm>>) target(%dma_start3A_62 : memref<128x32xf32, #tpu.memory_space<vmem>>) offsets(%dma_start3A_65 : memref<128xi32, #tpu.memory_space<vmem>>) semaphore(%arg7 : memref<!tpu.dma_semaphore, #tpu.memory_space<semaphore_mem>>)
      %dma_wait3A_69 = arith.constant 0 : i32
      %dma_wait3A_70 = arith.constant 0 : i32
      %dma_wait3A_71 = arith.constant 0 : i32
      %dma_wait3A_72 = tpu.memref_slice %arg6[%dma_wait3A_70, %dma_wait3A_71] : memref<512x32xf32, #tpu.memory_space<vmem>> -> memref<128x32xf32, #tpu.memory_space<vmem>>
      %dma_wait3A_73 = arith.constant 0 : i32
      %dma_wait3A_74 = tpu.memref_slice %arg5[%dma_wait3A_69, %dma_wait3A_73] : memref<4x128xi32, #tpu.memory_space<vmem>> -> memref<1x128xi32, #tpu.memory_space<vmem>>
      %dma_wait3A_75 = tpu.memref_squeeze %dma_wait3A_74 : memref<1x128xi32, #tpu.memory_space<vmem>> -> memref<128xi32, #tpu.memory_space<vmem>>
      %dma_wait3A_76 = arith.constant 0 : i32
      %dma_wait3A_77 = arith.constant 0 : i32
      %dma_wait3A_78 = tpu.memref_slice %arg2[%dma_wait3A_76, %dma_wait3A_77] : memref<10000x32xf32, #tpu.memory_space<hbm>> -> memref<10000x32xf32, #tpu.memory_space<hbm>>
      tpu.wait_indirect_dma semaphore(%arg7 : memref<!tpu.dma_semaphore, #tpu.memory_space<semaphore_mem>>) src(%dma_wait3A_78 : memref<10000x32xf32, #tpu.memory_space<hbm>>) dst(%dma_wait3A_72 : memref<128x32xf32, #tpu.memory_space<vmem>>)
      %dma_wait3A_79 = arith.constant 1 : i32
      %dma_wait3A_80 = arith.constant 128 : i32
      %dma_wait3A_81 = arith.constant 0 : i32
      %dma_wait3A_82 = tpu.memref_slice %arg6[%dma_wait3A_80, %dma_wait3A_81] : memref<512x32xf32, #tpu.memory_space<vmem>> -> memref<128x32xf32, #tpu.memory_space<vmem>>
      %dma_wait3A_83 = arith.constant 0 : i32
      %dma_wait3A_84 = tpu.memref_slice %arg5[%dma_wait3A_79, %dma_wait3A_83] : memref<4x128xi32, #tpu.memory_space<vmem>> -> memref<1x128xi32, #tpu.memory_space<vmem>>
      %dma_wait3A_85 = tpu.memref_squeeze %dma_wait3A_84 : memref<1x128xi32, #tpu.memory_space<vmem>> -> memref<128xi32, #tpu.memory_space<vmem>>
      %dma_wait3A_86 = arith.constant 0 : i32
      %dma_wait3A_87 = arith.constant 0 : i32
      %dma_wait3A_88 = tpu.memref_slice %arg2[%dma_wait3A_86, %dma_wait3A_87] : memref<10000x32xf32, #tpu.memory_space<hbm>> -> memref<10000x32xf32, #tpu.memory_space<hbm>>
      tpu.wait_indirect_dma semaphore(%arg7 : memref<!tpu.dma_semaphore, #tpu.memory_space<semaphore_mem>>) src(%dma_wait3A_88 : memref<10000x32xf32, #tpu.memory_space<hbm>>) dst(%dma_wait3A_82 : memref<128x32xf32, #tpu.memory_space<vmem>>)
      %dma_wait3A_89 = arith.constant 2 : i32
      %dma_wait3A_90 = arith.constant 256 : i32
      %dma_wait3A_91 = arith.constant 0 : i32
      %dma_wait3A_92 = tpu.memref_slice %arg6[%dma_wait3A_90, %dma_wait3A_91] : memref<512x32xf32, #tpu.memory_space<vmem>> -> memref<128x32xf32, #tpu.memory_space<vmem>>
      %dma_wait3A_93 = arith.constant 0 : i32
      %dma_wait3A_94 = tpu.memref_slice %arg5[%dma_wait3A_89, %dma_wait3A_93] : memref<4x128xi32, #tpu.memory_space<vmem>> -> memref<1x128xi32, #tpu.memory_space<vmem>>
      %dma_wait3A_95 = tpu.memref_squeeze %dma_wait3A_94 : memref<1x128xi32, #tpu.memory_space<vmem>> -> memref<128xi32, #tpu.memory_space<vmem>>
      %dma_wait3A_96 = arith.constant 0 : i32
      %dma_wait3A_97 = arith.constant 0 : i32
      %dma_wait3A_98 = tpu.memref_slice %arg2[%dma_wait3A_96, %dma_wait3A_97] : memref<10000x32xf32, #tpu.memory_space<hbm>> -> memref<10000x32xf32, #tpu.memory_space<hbm>>
      tpu.wait_indirect_dma semaphore(%arg7 : memref<!tpu.dma_semaphore, #tpu.memory_space<semaphore_mem>>) src(%dma_wait3A_98 : memref<10000x32xf32, #tpu.memory_space<hbm>>) dst(%dma_wait3A_92 : memref<128x32xf32, #tpu.memory_space<vmem>>)
      %dma_wait3A_99 = arith.constant 3 : i32
      %dma_wait3A_100 = arith.constant 384 : i32
      %dma_wait3A_101 = arith.constant 0 : i32
      %dma_wait3A_102 = tpu.memref_slice %arg6[%dma_wait3A_100, %dma_wait3A_101] : memref<512x32xf32, #tpu.memory_space<vmem>> -> memref<128x32xf32, #tpu.memory_space<vmem>>
      %dma_wait3A_103 = arith.constant 0 : i32
      %dma_wait3A_104 = tpu.memref_slice %arg5[%dma_wait3A_99, %dma_wait3A_103] : memref<4x128xi32, #tpu.memory_space<vmem>> -> memref<1x128xi32, #tpu.memory_space<vmem>>
      %dma_wait3A_105 = tpu.memref_squeeze %dma_wait3A_104 : memref<1x128xi32, #tpu.memory_space<vmem>> -> memref<128xi32, #tpu.memory_space<vmem>>
      %dma_wait3A_106 = arith.constant 0 : i32
      %dma_wait3A_107 = arith.constant 0 : i32
      %dma_wait3A_108 = tpu.memref_slice %arg2[%dma_wait3A_106, %dma_wait3A_107] : memref<10000x32xf32, #tpu.memory_space<hbm>> -> memref<10000x32xf32, #tpu.memory_space<hbm>>
      tpu.wait_indirect_dma semaphore(%arg7 : memref<!tpu.dma_semaphore, #tpu.memory_space<semaphore_mem>>) src(%dma_wait3A_108 : memref<10000x32xf32, #tpu.memory_space<hbm>>) dst(%dma_wait3A_102 : memref<128x32xf32, #tpu.memory_space<vmem>>)
      %dma_start3A_109 = arith.constant 0 : i32
      %dma_start3A_110 = tpu.memref_slice %arg4[%mul3A_20, %dma_start3A_109] : memref<320000x32xf32, #tpu.memory_space<hbm>> -> memref<512x32xf32, #tpu.memory_space<hbm>>
      %dma_start3A_111 = arith.constant 0 : i32
      %dma_start3A_112 = tpu.memref_slice %arg4[%mul3A_20, %dma_start3A_111] : memref<320000x32xf32, #tpu.memory_space<hbm>> -> memref<512x32xf32, #tpu.memory_space<hbm>>
      tpu.enqueue_dma source(%arg6 : memref<512x32xf32, #tpu.memory_space<vmem>>) target(%dma_start3A_112 : memref<512x32xf32, #tpu.memory_space<hbm>>) target_semaphore(%arg7 : memref<!tpu.dma_semaphore, #tpu.memory_space<semaphore_mem>>)
      %dma_wait3A_113 = arith.constant 0 : i32
      %dma_wait3A_114 = tpu.memref_slice %arg4[%mul3A_20, %dma_wait3A_113] : memref<320000x32xf32, #tpu.memory_space<hbm>> -> memref<512x32xf32, #tpu.memory_space<hbm>>
      %dma_wait3A_115 = arith.constant 0 : i32
      %dma_wait3A_116 = tpu.memref_slice %arg4[%mul3A_20, %dma_wait3A_115] : memref<320000x32xf32, #tpu.memory_space<hbm>> -> memref<512x32xf32, #tpu.memory_space<hbm>>
      tpu.wait_dma2 semaphore(%arg7 : memref<!tpu.dma_semaphore, #tpu.memory_space<semaphore_mem>>) src(%arg6 : memref<512x32xf32, #tpu.memory_space<vmem>>) dst(%dma_wait3A_116 : memref<512x32xf32, #tpu.memory_space<hbm>>)
    }
    return
  }
}

#map = affine_map<(d0, d1) -> (0, 0)>
module attributes {stable_mosaic.version = 14 : i64} {
  func.func @gather1_body(%arg0: i32, %arg1: i32, %arg2: memref<10000x128xf32, #tpu.memory_space<hbm>>, %arg3: memref<2500x128xi32, #tpu.memory_space<hbm>>, %arg4: memref<320000x128xf32, #tpu.memory_space<hbm>>, %arg5: memref<4x128xi32, #tpu.memory_space<vmem>>, %arg6: memref<512x128xf32, #tpu.memory_space<vmem>>, %arg7: memref<!tpu.dma_semaphore, #tpu.memory_space<semaphore_mem>>) attributes {dimension_semantics = [#tpu.dimension_semantics<core_parallel>, #tpu.dimension_semantics<subcore_parallel>], iteration_bounds = array<i64: 2, 16>, scalar_prefetch = 0 : i64, scratch_operands = 3 : i64, tpu.core_type = #tpu.core_type<sc_vector_subcore>, window_params = [{transform_indices = #map}, {transform_indices = #map}, {transform_indices = #map}]} {
    %mul3A = arith.constant 2 : i32
    %mul3A_0 = arith.muli %arg1, %mul3A : i32
    %add3A = arith.addi %mul3A_0, %arg0 : i32
    %sub3A = arith.constant 625 : i32
    %sub3A_1 = arith.subi %sub3A, %add3A : i32
    %sub3A_2 = arith.constant 32 : i32
    %sub3A_3 = arith.constant 1 : i32
    %sub3A_4 = arith.subi %sub3A_2, %sub3A_3 : i32
    %add3A_5 = arith.addi %sub3A_1, %sub3A_4 : i32
    %div3A = arith.constant 32 : i32
    %div3A_6 = arith.divsi %add3A_5, %div3A : i32
    %while3A = arith.constant 32 : i32
    %while3A_7 = arith.constant 0 : i32
    %while3A_8 = arith.subi %div3A_6, %while3A_7 : i32
    %while3A_9 = arith.addi %while3A_7, %while3A_8 : i32
    %while3A_10 = arith.constant 1 : i32
    %while3A_11 = arith.divsi %while3A_8, %while3A_10 : i32
    %while3A_12 = arith.muli %while3A_11, %while3A_10 : i32
    %while3A_13 = arith.addi %while3A_7, %while3A_12 : i32
    %while3A_14 = arith.constant 1 : i32
    scf.for %while3A_16 = %while3A_7 to %while3A_13 step %while3A_14  : i32 {
      %mul3A_17 = arith.muli %while3A_16, %while3A : i32
      %add3A_18 = arith.addi %add3A, %mul3A_17 : i32
      %mul3A_19 = arith.constant 512 : i32
      %mul3A_20 = arith.muli %add3A_18, %mul3A_19 : i32
      %mul3A_21 = arith.constant 4 : i32
      %mul3A_22 = arith.muli %add3A_18, %mul3A_21 : i32
      %dma_start3A = arith.constant 0 : i32
      %dma_start3A_23 = tpu.memref_slice %arg3[%mul3A_22, %dma_start3A] : memref<2500x128xi32, #tpu.memory_space<hbm>> -> memref<4x128xi32, #tpu.memory_space<hbm>>
      %dma_start3A_24 = arith.constant 0 : i32
      %dma_start3A_25 = tpu.memref_slice %arg3[%mul3A_22, %dma_start3A_24] : memref<2500x128xi32, #tpu.memory_space<hbm>> -> memref<4x128xi32, #tpu.memory_space<hbm>>
      tpu.enqueue_dma source(%dma_start3A_25 : memref<4x128xi32, #tpu.memory_space<hbm>>) target(%arg5 : memref<4x128xi32, #tpu.memory_space<vmem>>) target_semaphore(%arg7 : memref<!tpu.dma_semaphore, #tpu.memory_space<semaphore_mem>>)
      %dma_wait3A = arith.constant 0 : i32
      %dma_wait3A_26 = tpu.memref_slice %arg3[%mul3A_22, %dma_wait3A] : memref<2500x128xi32, #tpu.memory_space<hbm>> -> memref<4x128xi32, #tpu.memory_space<hbm>>
      %dma_wait3A_27 = arith.constant 0 : i32
      %dma_wait3A_28 = tpu.memref_slice %arg3[%mul3A_22, %dma_wait3A_27] : memref<2500x128xi32, #tpu.memory_space<hbm>> -> memref<4x128xi32, #tpu.memory_space<hbm>>
      tpu.wait_dma2 semaphore(%arg7 : memref<!tpu.dma_semaphore, #tpu.memory_space<semaphore_mem>>) src(%dma_wait3A_28 : memref<4x128xi32, #tpu.memory_space<hbm>>) dst(%arg5 : memref<4x128xi32, #tpu.memory_space<vmem>>)
      %dma_start3A_29 = arith.constant 0 : i32
      %dma_start3A_30 = arith.constant 0 : i32
      %dma_start3A_31 = arith.constant 0 : i32
      %dma_start3A_32 = tpu.memref_slice %arg6[%dma_start3A_30, %dma_start3A_31] : memref<512x128xf32, #tpu.memory_space<vmem>> -> memref<128x128xf32, #tpu.memory_space<vmem>>
      %dma_start3A_33 = arith.constant 0 : i32
      %dma_start3A_34 = tpu.memref_slice %arg5[%dma_start3A_29, %dma_start3A_33] : memref<4x128xi32, #tpu.memory_space<vmem>> -> memref<1x128xi32, #tpu.memory_space<vmem>>
      %dma_start3A_35 = tpu.memref_squeeze %dma_start3A_34 : memref<1x128xi32, #tpu.memory_space<vmem>> -> memref<128xi32, #tpu.memory_space<vmem>>
      %dma_start3A_36 = arith.constant 0 : i32
      %dma_start3A_37 = arith.constant 0 : i32
      %dma_start3A_38 = tpu.memref_slice %arg2[%dma_start3A_36, %dma_start3A_37] : memref<10000x128xf32, #tpu.memory_space<hbm>> -> memref<10000x128xf32, #tpu.memory_space<hbm>>
      tpu.enqueue_indirect_dma source(%dma_start3A_38 : memref<10000x128xf32, #tpu.memory_space<hbm>>) target(%dma_start3A_32 : memref<128x128xf32, #tpu.memory_space<vmem>>) offsets(%dma_start3A_35 : memref<128xi32, #tpu.memory_space<vmem>>) semaphore(%arg7 : memref<!tpu.dma_semaphore, #tpu.memory_space<semaphore_mem>>)
      %dma_start3A_39 = arith.constant 1 : i32
      %dma_start3A_40 = arith.constant 128 : i32
      %dma_start3A_41 = arith.constant 0 : i32
      %dma_start3A_42 = tpu.memref_slice %arg6[%dma_start3A_40, %dma_start3A_41] : memref<512x128xf32, #tpu.memory_space<vmem>> -> memref<128x128xf32, #tpu.memory_space<vmem>>
      %dma_start3A_43 = arith.constant 0 : i32
      %dma_start3A_44 = tpu.memref_slice %arg5[%dma_start3A_39, %dma_start3A_43] : memref<4x128xi32, #tpu.memory_space<vmem>> -> memref<1x128xi32, #tpu.memory_space<vmem>>
      %dma_start3A_45 = tpu.memref_squeeze %dma_start3A_44 : memref<1x128xi32, #tpu.memory_space<vmem>> -> memref<128xi32, #tpu.memory_space<vmem>>
      %dma_start3A_46 = arith.constant 0 : i32
      %dma_start3A_47 = arith.constant 0 : i32
      %dma_start3A_48 = tpu.memref_slice %arg2[%dma_start3A_46, %dma_start3A_47] : memref<10000x128xf32, #tpu.memory_space<hbm>> -> memref<10000x128xf32, #tpu.memory_space<hbm>>
      tpu.enqueue_indirect_dma source(%dma_start3A_48 : memref<10000x128xf32, #tpu.memory_space<hbm>>) target(%dma_start3A_42 : memref<128x128xf32, #tpu.memory_space<vmem>>) offsets(%dma_start3A_45 : memref<128xi32, #tpu.memory_space<vmem>>) semaphore(%arg7 : memref<!tpu.dma_semaphore, #tpu.memory_space<semaphore_mem>>)
      %dma_start3A_49 = arith.constant 2 : i32
      %dma_start3A_50 = arith.constant 256 : i32
      %dma_start3A_51 = arith.constant 0 : i32
      %dma_start3A_52 = tpu.memref_slice %arg6[%dma_start3A_50, %dma_start3A_51] : memref<512x128xf32, #tpu.memory_space<vmem>> -> memref<128x128xf32, #tpu.memory_space<vmem>>
      %dma_start3A_53 = arith.constant 0 : i32
      %dma_start3A_54 = tpu.memref_slice %arg5[%dma_start3A_49, %dma_start3A_53] : memref<4x128xi32, #tpu.memory_space<vmem>> -> memref<1x128xi32, #tpu.memory_space<vmem>>
      %dma_start3A_55 = tpu.memref_squeeze %dma_start3A_54 : memref<1x128xi32, #tpu.memory_space<vmem>> -> memref<128xi32, #tpu.memory_space<vmem>>
      %dma_start3A_56 = arith.constant 0 : i32
      %dma_start3A_57 = arith.constant 0 : i32
      %dma_start3A_58 = tpu.memref_slice %arg2[%dma_start3A_56, %dma_start3A_57] : memref<10000x128xf32, #tpu.memory_space<hbm>> -> memref<10000x128xf32, #tpu.memory_space<hbm>>
      tpu.enqueue_indirect_dma source(%dma_start3A_58 : memref<10000x128xf32, #tpu.memory_space<hbm>>) target(%dma_start3A_52 : memref<128x128xf32, #tpu.memory_space<vmem>>) offsets(%dma_start3A_55 : memref<128xi32, #tpu.memory_space<vmem>>) semaphore(%arg7 : memref<!tpu.dma_semaphore, #tpu.memory_space<semaphore_mem>>)
      %dma_start3A_59 = arith.constant 3 : i32
      %dma_start3A_60 = arith.constant 384 : i32
      %dma_start3A_61 = arith.constant 0 : i32
      %dma_start3A_62 = tpu.memref_slice %arg6[%dma_start3A_60, %dma_start3A_61] : memref<512x128xf32, #tpu.memory_space<vmem>> -> memref<128x128xf32, #tpu.memory_space<vmem>>
      %dma_start3A_63 = arith.constant 0 : i32
      %dma_start3A_64 = tpu.memref_slice %arg5[%dma_start3A_59, %dma_start3A_63] : memref<4x128xi32, #tpu.memory_space<vmem>> -> memref<1x128xi32, #tpu.memory_space<vmem>>
      %dma_start3A_65 = tpu.memref_squeeze %dma_start3A_64 : memref<1x128xi32, #tpu.memory_space<vmem>> -> memref<128xi32, #tpu.memory_space<vmem>>
      %dma_start3A_66 = arith.constant 0 : i32
      %dma_start3A_67 = arith.constant 0 : i32
      %dma_start3A_68 = tpu.memref_slice %arg2[%dma_start3A_66, %dma_start3A_67] : memref<10000x128xf32, #tpu.memory_space<hbm>> -> memref<10000x128xf32, #tpu.memory_space<hbm>>
      tpu.enqueue_indirect_dma source(%dma_start3A_68 : memref<10000x128xf32, #tpu.memory_space<hbm>>) target(%dma_start3A_62 : memref<128x128xf32, #tpu.memory_space<vmem>>) offsets(%dma_start3A_65 : memref<128xi32, #tpu.memory_space<vmem>>) semaphore(%arg7 : memref<!tpu.dma_semaphore, #tpu.memory_space<semaphore_mem>>)
      %dma_wait3A_69 = arith.constant 0 : i32
      %dma_wait3A_70 = arith.constant 0 : i32
      %dma_wait3A_71 = arith.constant 0 : i32
      %dma_wait3A_72 = tpu.memref_slice %arg6[%dma_wait3A_70, %dma_wait3A_71] : memref<512x128xf32, #tpu.memory_space<vmem>> -> memref<128x128xf32, #tpu.memory_space<vmem>>
      %dma_wait3A_73 = arith.constant 0 : i32
      %dma_wait3A_74 = tpu.memref_slice %arg5[%dma_wait3A_69, %dma_wait3A_73] : memref<4x128xi32, #tpu.memory_space<vmem>> -> memref<1x128xi32, #tpu.memory_space<vmem>>
      %dma_wait3A_75 = tpu.memref_squeeze %dma_wait3A_74 : memref<1x128xi32, #tpu.memory_space<vmem>> -> memref<128xi32, #tpu.memory_space<vmem>>
      %dma_wait3A_76 = arith.constant 0 : i32
      %dma_wait3A_77 = arith.constant 0 : i32
      %dma_wait3A_78 = tpu.memref_slice %arg2[%dma_wait3A_76, %dma_wait3A_77] : memref<10000x128xf32, #tpu.memory_space<hbm>> -> memref<10000x128xf32, #tpu.memory_space<hbm>>
      tpu.wait_indirect_dma semaphore(%arg7 : memref<!tpu.dma_semaphore, #tpu.memory_space<semaphore_mem>>) src(%dma_wait3A_78 : memref<10000x128xf32, #tpu.memory_space<hbm>>) dst(%dma_wait3A_72 : memref<128x128xf32, #tpu.memory_space<vmem>>)
      %dma_wait3A_79 = arith.constant 1 : i32
      %dma_wait3A_80 = arith.constant 128 : i32
      %dma_wait3A_81 = arith.constant 0 : i32
      %dma_wait3A_82 = tpu.memref_slice %arg6[%dma_wait3A_80, %dma_wait3A_81] : memref<512x128xf32, #tpu.memory_space<vmem>> -> memref<128x128xf32, #tpu.memory_space<vmem>>
      %dma_wait3A_83 = arith.constant 0 : i32
      %dma_wait3A_84 = tpu.memref_slice %arg5[%dma_wait3A_79, %dma_wait3A_83] : memref<4x128xi32, #tpu.memory_space<vmem>> -> memref<1x128xi32, #tpu.memory_space<vmem>>
      %dma_wait3A_85 = tpu.memref_squeeze %dma_wait3A_84 : memref<1x128xi32, #tpu.memory_space<vmem>> -> memref<128xi32, #tpu.memory_space<vmem>>
      %dma_wait3A_86 = arith.constant 0 : i32
      %dma_wait3A_87 = arith.constant 0 : i32
      %dma_wait3A_88 = tpu.memref_slice %arg2[%dma_wait3A_86, %dma_wait3A_87] : memref<10000x128xf32, #tpu.memory_space<hbm>> -> memref<10000x128xf32, #tpu.memory_space<hbm>>
      tpu.wait_indirect_dma semaphore(%arg7 : memref<!tpu.dma_semaphore, #tpu.memory_space<semaphore_mem>>) src(%dma_wait3A_88 : memref<10000x128xf32, #tpu.memory_space<hbm>>) dst(%dma_wait3A_82 : memref<128x128xf32, #tpu.memory_space<vmem>>)
      %dma_wait3A_89 = arith.constant 2 : i32
      %dma_wait3A_90 = arith.constant 256 : i32
      %dma_wait3A_91 = arith.constant 0 : i32
      %dma_wait3A_92 = tpu.memref_slice %arg6[%dma_wait3A_90, %dma_wait3A_91] : memref<512x128xf32, #tpu.memory_space<vmem>> -> memref<128x128xf32, #tpu.memory_space<vmem>>
      %dma_wait3A_93 = arith.constant 0 : i32
      %dma_wait3A_94 = tpu.memref_slice %arg5[%dma_wait3A_89, %dma_wait3A_93] : memref<4x128xi32, #tpu.memory_space<vmem>> -> memref<1x128xi32, #tpu.memory_space<vmem>>
      %dma_wait3A_95 = tpu.memref_squeeze %dma_wait3A_94 : memref<1x128xi32, #tpu.memory_space<vmem>> -> memref<128xi32, #tpu.memory_space<vmem>>
      %dma_wait3A_96 = arith.constant 0 : i32
      %dma_wait3A_97 = arith.constant 0 : i32
      %dma_wait3A_98 = tpu.memref_slice %arg2[%dma_wait3A_96, %dma_wait3A_97] : memref<10000x128xf32, #tpu.memory_space<hbm>> -> memref<10000x128xf32, #tpu.memory_space<hbm>>
      tpu.wait_indirect_dma semaphore(%arg7 : memref<!tpu.dma_semaphore, #tpu.memory_space<semaphore_mem>>) src(%dma_wait3A_98 : memref<10000x128xf32, #tpu.memory_space<hbm>>) dst(%dma_wait3A_92 : memref<128x128xf32, #tpu.memory_space<vmem>>)
      %dma_wait3A_99 = arith.constant 3 : i32
      %dma_wait3A_100 = arith.constant 384 : i32
      %dma_wait3A_101 = arith.constant 0 : i32
      %dma_wait3A_102 = tpu.memref_slice %arg6[%dma_wait3A_100, %dma_wait3A_101] : memref<512x128xf32, #tpu.memory_space<vmem>> -> memref<128x128xf32, #tpu.memory_space<vmem>>
      %dma_wait3A_103 = arith.constant 0 : i32
      %dma_wait3A_104 = tpu.memref_slice %arg5[%dma_wait3A_99, %dma_wait3A_103] : memref<4x128xi32, #tpu.memory_space<vmem>> -> memref<1x128xi32, #tpu.memory_space<vmem>>
      %dma_wait3A_105 = tpu.memref_squeeze %dma_wait3A_104 : memref<1x128xi32, #tpu.memory_space<vmem>> -> memref<128xi32, #tpu.memory_space<vmem>>
      %dma_wait3A_106 = arith.constant 0 : i32
      %dma_wait3A_107 = arith.constant 0 : i32
      %dma_wait3A_108 = tpu.memref_slice %arg2[%dma_wait3A_106, %dma_wait3A_107] : memref<10000x128xf32, #tpu.memory_space<hbm>> -> memref<10000x128xf32, #tpu.memory_space<hbm>>
      tpu.wait_indirect_dma semaphore(%arg7 : memref<!tpu.dma_semaphore, #tpu.memory_space<semaphore_mem>>) src(%dma_wait3A_108 : memref<10000x128xf32, #tpu.memory_space<hbm>>) dst(%dma_wait3A_102 : memref<128x128xf32, #tpu.memory_space<vmem>>)
      %dma_start3A_109 = arith.constant 0 : i32
      %dma_start3A_110 = tpu.memref_slice %arg4[%mul3A_20, %dma_start3A_109] : memref<320000x128xf32, #tpu.memory_space<hbm>> -> memref<512x128xf32, #tpu.memory_space<hbm>>
      %dma_start3A_111 = arith.constant 0 : i32
      %dma_start3A_112 = tpu.memref_slice %arg4[%mul3A_20, %dma_start3A_111] : memref<320000x128xf32, #tpu.memory_space<hbm>> -> memref<512x128xf32, #tpu.memory_space<hbm>>
      tpu.enqueue_dma source(%arg6 : memref<512x128xf32, #tpu.memory_space<vmem>>) target(%dma_start3A_112 : memref<512x128xf32, #tpu.memory_space<hbm>>) target_semaphore(%arg7 : memref<!tpu.dma_semaphore, #tpu.memory_space<semaphore_mem>>)
      %dma_wait3A_113 = arith.constant 0 : i32
      %dma_wait3A_114 = tpu.memref_slice %arg4[%mul3A_20, %dma_wait3A_113] : memref<320000x128xf32, #tpu.memory_space<hbm>> -> memref<512x128xf32, #tpu.memory_space<hbm>>
      %dma_wait3A_115 = arith.constant 0 : i32
      %dma_wait3A_116 = tpu.memref_slice %arg4[%mul3A_20, %dma_wait3A_115] : memref<320000x128xf32, #tpu.memory_space<hbm>> -> memref<512x128xf32, #tpu.memory_space<hbm>>
      tpu.wait_dma2 semaphore(%arg7 : memref<!tpu.dma_semaphore, #tpu.memory_space<semaphore_mem>>) src(%arg6 : memref<512x128xf32, #tpu.memory_space<vmem>>) dst(%dma_wait3A_116 : memref<512x128xf32, #tpu.memory_space<hbm>>)
    }
    %while3A_15 = arith.constant 1 : i32
    scf.for %while3A_16 = %while3A_13 to %while3A_9 step %while3A_15  : i32 {
      %mul3A_17 = arith.muli %while3A_16, %while3A : i32
      %add3A_18 = arith.addi %add3A, %mul3A_17 : i32
      %mul3A_19 = arith.constant 512 : i32
      %mul3A_20 = arith.muli %add3A_18, %mul3A_19 : i32
      %mul3A_21 = arith.constant 4 : i32
      %mul3A_22 = arith.muli %add3A_18, %mul3A_21 : i32
      %dma_start3A = arith.constant 0 : i32
      %dma_start3A_23 = tpu.memref_slice %arg3[%mul3A_22, %dma_start3A] : memref<2500x128xi32, #tpu.memory_space<hbm>> -> memref<4x128xi32, #tpu.memory_space<hbm>>
      %dma_start3A_24 = arith.constant 0 : i32
      %dma_start3A_25 = tpu.memref_slice %arg3[%mul3A_22, %dma_start3A_24] : memref<2500x128xi32, #tpu.memory_space<hbm>> -> memref<4x128xi32, #tpu.memory_space<hbm>>
      tpu.enqueue_dma source(%dma_start3A_25 : memref<4x128xi32, #tpu.memory_space<hbm>>) target(%arg5 : memref<4x128xi32, #tpu.memory_space<vmem>>) target_semaphore(%arg7 : memref<!tpu.dma_semaphore, #tpu.memory_space<semaphore_mem>>)
      %dma_wait3A = arith.constant 0 : i32
      %dma_wait3A_26 = tpu.memref_slice %arg3[%mul3A_22, %dma_wait3A] : memref<2500x128xi32, #tpu.memory_space<hbm>> -> memref<4x128xi32, #tpu.memory_space<hbm>>
      %dma_wait3A_27 = arith.constant 0 : i32
      %dma_wait3A_28 = tpu.memref_slice %arg3[%mul3A_22, %dma_wait3A_27] : memref<2500x128xi32, #tpu.memory_space<hbm>> -> memref<4x128xi32, #tpu.memory_space<hbm>>
      tpu.wait_dma2 semaphore(%arg7 : memref<!tpu.dma_semaphore, #tpu.memory_space<semaphore_mem>>) src(%dma_wait3A_28 : memref<4x128xi32, #tpu.memory_space<hbm>>) dst(%arg5 : memref<4x128xi32, #tpu.memory_space<vmem>>)
      %dma_start3A_29 = arith.constant 0 : i32
      %dma_start3A_30 = arith.constant 0 : i32
      %dma_start3A_31 = arith.constant 0 : i32
      %dma_start3A_32 = tpu.memref_slice %arg6[%dma_start3A_30, %dma_start3A_31] : memref<512x128xf32, #tpu.memory_space<vmem>> -> memref<128x128xf32, #tpu.memory_space<vmem>>
      %dma_start3A_33 = arith.constant 0 : i32
      %dma_start3A_34 = tpu.memref_slice %arg5[%dma_start3A_29, %dma_start3A_33] : memref<4x128xi32, #tpu.memory_space<vmem>> -> memref<1x128xi32, #tpu.memory_space<vmem>>
      %dma_start3A_35 = tpu.memref_squeeze %dma_start3A_34 : memref<1x128xi32, #tpu.memory_space<vmem>> -> memref<128xi32, #tpu.memory_space<vmem>>
      %dma_start3A_36 = arith.constant 0 : i32
      %dma_start3A_37 = arith.constant 0 : i32
      %dma_start3A_38 = tpu.memref_slice %arg2[%dma_start3A_36, %dma_start3A_37] : memref<10000x128xf32, #tpu.memory_space<hbm>> -> memref<10000x128xf32, #tpu.memory_space<hbm>>
      tpu.enqueue_indirect_dma source(%dma_start3A_38 : memref<10000x128xf32, #tpu.memory_space<hbm>>) target(%dma_start3A_32 : memref<128x128xf32, #tpu.memory_space<vmem>>) offsets(%dma_start3A_35 : memref<128xi32, #tpu.memory_space<vmem>>) semaphore(%arg7 : memref<!tpu.dma_semaphore, #tpu.memory_space<semaphore_mem>>)
      %dma_start3A_39 = arith.constant 1 : i32
      %dma_start3A_40 = arith.constant 128 : i32
      %dma_start3A_41 = arith.constant 0 : i32
      %dma_start3A_42 = tpu.memref_slice %arg6[%dma_start3A_40, %dma_start3A_41] : memref<512x128xf32, #tpu.memory_space<vmem>> -> memref<128x128xf32, #tpu.memory_space<vmem>>
      %dma_start3A_43 = arith.constant 0 : i32
      %dma_start3A_44 = tpu.memref_slice %arg5[%dma_start3A_39, %dma_start3A_43] : memref<4x128xi32, #tpu.memory_space<vmem>> -> memref<1x128xi32, #tpu.memory_space<vmem>>
      %dma_start3A_45 = tpu.memref_squeeze %dma_start3A_44 : memref<1x128xi32, #tpu.memory_space<vmem>> -> memref<128xi32, #tpu.memory_space<vmem>>
      %dma_start3A_46 = arith.constant 0 : i32
      %dma_start3A_47 = arith.constant 0 : i32
      %dma_start3A_48 = tpu.memref_slice %arg2[%dma_start3A_46, %dma_start3A_47] : memref<10000x128xf32, #tpu.memory_space<hbm>> -> memref<10000x128xf32, #tpu.memory_space<hbm>>
      tpu.enqueue_indirect_dma source(%dma_start3A_48 : memref<10000x128xf32, #tpu.memory_space<hbm>>) target(%dma_start3A_42 : memref<128x128xf32, #tpu.memory_space<vmem>>) offsets(%dma_start3A_45 : memref<128xi32, #tpu.memory_space<vmem>>) semaphore(%arg7 : memref<!tpu.dma_semaphore, #tpu.memory_space<semaphore_mem>>)
      %dma_start3A_49 = arith.constant 2 : i32
      %dma_start3A_50 = arith.constant 256 : i32
      %dma_start3A_51 = arith.constant 0 : i32
      %dma_start3A_52 = tpu.memref_slice %arg6[%dma_start3A_50, %dma_start3A_51] : memref<512x128xf32, #tpu.memory_space<vmem>> -> memref<128x128xf32, #tpu.memory_space<vmem>>
      %dma_start3A_53 = arith.constant 0 : i32
      %dma_start3A_54 = tpu.memref_slice %arg5[%dma_start3A_49, %dma_start3A_53] : memref<4x128xi32, #tpu.memory_space<vmem>> -> memref<1x128xi32, #tpu.memory_space<vmem>>
      %dma_start3A_55 = tpu.memref_squeeze %dma_start3A_54 : memref<1x128xi32, #tpu.memory_space<vmem>> -> memref<128xi32, #tpu.memory_space<vmem>>
      %dma_start3A_56 = arith.constant 0 : i32
      %dma_start3A_57 = arith.constant 0 : i32
      %dma_start3A_58 = tpu.memref_slice %arg2[%dma_start3A_56, %dma_start3A_57] : memref<10000x128xf32, #tpu.memory_space<hbm>> -> memref<10000x128xf32, #tpu.memory_space<hbm>>
      tpu.enqueue_indirect_dma source(%dma_start3A_58 : memref<10000x128xf32, #tpu.memory_space<hbm>>) target(%dma_start3A_52 : memref<128x128xf32, #tpu.memory_space<vmem>>) offsets(%dma_start3A_55 : memref<128xi32, #tpu.memory_space<vmem>>) semaphore(%arg7 : memref<!tpu.dma_semaphore, #tpu.memory_space<semaphore_mem>>)
      %dma_start3A_59 = arith.constant 3 : i32
      %dma_start3A_60 = arith.constant 384 : i32
      %dma_start3A_61 = arith.constant 0 : i32
      %dma_start3A_62 = tpu.memref_slice %arg6[%dma_start3A_60, %dma_start3A_61] : memref<512x128xf32, #tpu.memory_space<vmem>> -> memref<128x128xf32, #tpu.memory_space<vmem>>
      %dma_start3A_63 = arith.constant 0 : i32
      %dma_start3A_64 = tpu.memref_slice %arg5[%dma_start3A_59, %dma_start3A_63] : memref<4x128xi32, #tpu.memory_space<vmem>> -> memref<1x128xi32, #tpu.memory_space<vmem>>
      %dma_start3A_65 = tpu.memref_squeeze %dma_start3A_64 : memref<1x128xi32, #tpu.memory_space<vmem>> -> memref<128xi32, #tpu.memory_space<vmem>>
      %dma_start3A_66 = arith.constant 0 : i32
      %dma_start3A_67 = arith.constant 0 : i32
      %dma_start3A_68 = tpu.memref_slice %arg2[%dma_start3A_66, %dma_start3A_67] : memref<10000x128xf32, #tpu.memory_space<hbm>> -> memref<10000x128xf32, #tpu.memory_space<hbm>>
      tpu.enqueue_indirect_dma source(%dma_start3A_68 : memref<10000x128xf32, #tpu.memory_space<hbm>>) target(%dma_start3A_62 : memref<128x128xf32, #tpu.memory_space<vmem>>) offsets(%dma_start3A_65 : memref<128xi32, #tpu.memory_space<vmem>>) semaphore(%arg7 : memref<!tpu.dma_semaphore, #tpu.memory_space<semaphore_mem>>)
      %dma_wait3A_69 = arith.constant 0 : i32
      %dma_wait3A_70 = arith.constant 0 : i32
      %dma_wait3A_71 = arith.constant 0 : i32
      %dma_wait3A_72 = tpu.memref_slice %arg6[%dma_wait3A_70, %dma_wait3A_71] : memref<512x128xf32, #tpu.memory_space<vmem>> -> memref<128x128xf32, #tpu.memory_space<vmem>>
      %dma_wait3A_73 = arith.constant 0 : i32
      %dma_wait3A_74 = tpu.memref_slice %arg5[%dma_wait3A_69, %dma_wait3A_73] : memref<4x128xi32, #tpu.memory_space<vmem>> -> memref<1x128xi32, #tpu.memory_space<vmem>>
      %dma_wait3A_75 = tpu.memref_squeeze %dma_wait3A_74 : memref<1x128xi32, #tpu.memory_space<vmem>> -> memref<128xi32, #tpu.memory_space<vmem>>
      %dma_wait3A_76 = arith.constant 0 : i32
      %dma_wait3A_77 = arith.constant 0 : i32
      %dma_wait3A_78 = tpu.memref_slice %arg2[%dma_wait3A_76, %dma_wait3A_77] : memref<10000x128xf32, #tpu.memory_space<hbm>> -> memref<10000x128xf32, #tpu.memory_space<hbm>>
      tpu.wait_indirect_dma semaphore(%arg7 : memref<!tpu.dma_semaphore, #tpu.memory_space<semaphore_mem>>) src(%dma_wait3A_78 : memref<10000x128xf32, #tpu.memory_space<hbm>>) dst(%dma_wait3A_72 : memref<128x128xf32, #tpu.memory_space<vmem>>)
      %dma_wait3A_79 = arith.constant 1 : i32
      %dma_wait3A_80 = arith.constant 128 : i32
      %dma_wait3A_81 = arith.constant 0 : i32
      %dma_wait3A_82 = tpu.memref_slice %arg6[%dma_wait3A_80, %dma_wait3A_81] : memref<512x128xf32, #tpu.memory_space<vmem>> -> memref<128x128xf32, #tpu.memory_space<vmem>>
      %dma_wait3A_83 = arith.constant 0 : i32
      %dma_wait3A_84 = tpu.memref_slice %arg5[%dma_wait3A_79, %dma_wait3A_83] : memref<4x128xi32, #tpu.memory_space<vmem>> -> memref<1x128xi32, #tpu.memory_space<vmem>>
      %dma_wait3A_85 = tpu.memref_squeeze %dma_wait3A_84 : memref<1x128xi32, #tpu.memory_space<vmem>> -> memref<128xi32, #tpu.memory_space<vmem>>
      %dma_wait3A_86 = arith.constant 0 : i32
      %dma_wait3A_87 = arith.constant 0 : i32
      %dma_wait3A_88 = tpu.memref_slice %arg2[%dma_wait3A_86, %dma_wait3A_87] : memref<10000x128xf32, #tpu.memory_space<hbm>> -> memref<10000x128xf32, #tpu.memory_space<hbm>>
      tpu.wait_indirect_dma semaphore(%arg7 : memref<!tpu.dma_semaphore, #tpu.memory_space<semaphore_mem>>) src(%dma_wait3A_88 : memref<10000x128xf32, #tpu.memory_space<hbm>>) dst(%dma_wait3A_82 : memref<128x128xf32, #tpu.memory_space<vmem>>)
      %dma_wait3A_89 = arith.constant 2 : i32
      %dma_wait3A_90 = arith.constant 256 : i32
      %dma_wait3A_91 = arith.constant 0 : i32
      %dma_wait3A_92 = tpu.memref_slice %arg6[%dma_wait3A_90, %dma_wait3A_91] : memref<512x128xf32, #tpu.memory_space<vmem>> -> memref<128x128xf32, #tpu.memory_space<vmem>>
      %dma_wait3A_93 = arith.constant 0 : i32
      %dma_wait3A_94 = tpu.memref_slice %arg5[%dma_wait3A_89, %dma_wait3A_93] : memref<4x128xi32, #tpu.memory_space<vmem>> -> memref<1x128xi32, #tpu.memory_space<vmem>>
      %dma_wait3A_95 = tpu.memref_squeeze %dma_wait3A_94 : memref<1x128xi32, #tpu.memory_space<vmem>> -> memref<128xi32, #tpu.memory_space<vmem>>
      %dma_wait3A_96 = arith.constant 0 : i32
      %dma_wait3A_97 = arith.constant 0 : i32
      %dma_wait3A_98 = tpu.memref_slice %arg2[%dma_wait3A_96, %dma_wait3A_97] : memref<10000x128xf32, #tpu.memory_space<hbm>> -> memref<10000x128xf32, #tpu.memory_space<hbm>>
      tpu.wait_indirect_dma semaphore(%arg7 : memref<!tpu.dma_semaphore, #tpu.memory_space<semaphore_mem>>) src(%dma_wait3A_98 : memref<10000x128xf32, #tpu.memory_space<hbm>>) dst(%dma_wait3A_92 : memref<128x128xf32, #tpu.memory_space<vmem>>)
      %dma_wait3A_99 = arith.constant 3 : i32
      %dma_wait3A_100 = arith.constant 384 : i32
      %dma_wait3A_101 = arith.constant 0 : i32
      %dma_wait3A_102 = tpu.memref_slice %arg6[%dma_wait3A_100, %dma_wait3A_101] : memref<512x128xf32, #tpu.memory_space<vmem>> -> memref<128x128xf32, #tpu.memory_space<vmem>>
      %dma_wait3A_103 = arith.constant 0 : i32
      %dma_wait3A_104 = tpu.memref_slice %arg5[%dma_wait3A_99, %dma_wait3A_103] : memref<4x128xi32, #tpu.memory_space<vmem>> -> memref<1x128xi32, #tpu.memory_space<vmem>>
      %dma_wait3A_105 = tpu.memref_squeeze %dma_wait3A_104 : memref<1x128xi32, #tpu.memory_space<vmem>> -> memref<128xi32, #tpu.memory_space<vmem>>
      %dma_wait3A_106 = arith.constant 0 : i32
      %dma_wait3A_107 = arith.constant 0 : i32
      %dma_wait3A_108 = tpu.memref_slice %arg2[%dma_wait3A_106, %dma_wait3A_107] : memref<10000x128xf32, #tpu.memory_space<hbm>> -> memref<10000x128xf32, #tpu.memory_space<hbm>>
      tpu.wait_indirect_dma semaphore(%arg7 : memref<!tpu.dma_semaphore, #tpu.memory_space<semaphore_mem>>) src(%dma_wait3A_108 : memref<10000x128xf32, #tpu.memory_space<hbm>>) dst(%dma_wait3A_102 : memref<128x128xf32, #tpu.memory_space<vmem>>)
      %dma_start3A_109 = arith.constant 0 : i32
      %dma_start3A_110 = tpu.memref_slice %arg4[%mul3A_20, %dma_start3A_109] : memref<320000x128xf32, #tpu.memory_space<hbm>> -> memref<512x128xf32, #tpu.memory_space<hbm>>
      %dma_start3A_111 = arith.constant 0 : i32
      %dma_start3A_112 = tpu.memref_slice %arg4[%mul3A_20, %dma_start3A_111] : memref<320000x128xf32, #tpu.memory_space<hbm>> -> memref<512x128xf32, #tpu.memory_space<hbm>>
      tpu.enqueue_dma source(%arg6 : memref<512x128xf32, #tpu.memory_space<vmem>>) target(%dma_start3A_112 : memref<512x128xf32, #tpu.memory_space<hbm>>) target_semaphore(%arg7 : memref<!tpu.dma_semaphore, #tpu.memory_space<semaphore_mem>>)
      %dma_wait3A_113 = arith.constant 0 : i32
      %dma_wait3A_114 = tpu.memref_slice %arg4[%mul3A_20, %dma_wait3A_113] : memref<320000x128xf32, #tpu.memory_space<hbm>> -> memref<512x128xf32, #tpu.memory_space<hbm>>
      %dma_wait3A_115 = arith.constant 0 : i32
      %dma_wait3A_116 = tpu.memref_slice %arg4[%mul3A_20, %dma_wait3A_115] : memref<320000x128xf32, #tpu.memory_space<hbm>> -> memref<512x128xf32, #tpu.memory_space<hbm>>
      tpu.wait_dma2 semaphore(%arg7 : memref<!tpu.dma_semaphore, #tpu.memory_space<semaphore_mem>>) src(%arg6 : memref<512x128xf32, #tpu.memory_space<vmem>>) dst(%dma_wait3A_116 : memref<512x128xf32, #tpu.memory_space<hbm>>)
    }
    return
  }
}

#map = affine_map<(d0, d1) -> (0, 0)>
module attributes {stable_mosaic.version = 14 : i64} {
  func.func @scatter_body(%arg0: i32, %arg1: i32, %arg2: memref<320000x80xf32, #tpu.memory_space<hbm>>, %arg3: memref<2500x128xi32, #tpu.memory_space<hbm>>, %arg4: memref<10240x80xf32, #tpu.memory_space<hbm>>, %arg5: memref<20480x80xf32, #tpu.memory_space<hbm>>, %arg6: memref<4x128xi32, #tpu.memory_space<vmem>>, %arg7: memref<512x80xf32, #tpu.memory_space<vmem>>, %arg8: memref<10240x80xf32, #tpu.memory_space<vmem_shared>>, %arg9: memref<!tpu.dma_semaphore, #tpu.memory_space<semaphore_mem>>) attributes {dimension_semantics = [#tpu.dimension_semantics<core_parallel>, #tpu.dimension_semantics<subcore_parallel>], iteration_bounds = array<i64: 2, 16>, scalar_prefetch = 0 : i64, scratch_operands = 4 : i64, tpu.core_type = #tpu.core_type<sc_vector_subcore>, window_params = [{transform_indices = #map}, {transform_indices = #map}, {transform_indices = #map}, {transform_indices = #map}]} {
    %mul3A = arith.constant 2 : i32
    %mul3A_0 = arith.muli %arg1, %mul3A : i32
    %add3A = arith.addi %mul3A_0, %arg0 : i32
    %mul3A_1 = arith.constant 640 : i32
    %mul3A_2 = arith.muli %arg1, %mul3A_1 : i32
    "tpu.region"() ({
      %run_scoped3A = tpu.sem_alloc : memref<!tpu.dma_semaphore, #tpu.memory_space<semaphore_mem>>
      %dma_start3A = arith.constant 0 : i32
      %dma_start3A_22 = tpu.memref_slice %arg8[%mul3A_2, %dma_start3A] : memref<10240x80xf32, #tpu.memory_space<vmem_shared>> -> memref<640x80xf32, #tpu.memory_space<vmem_shared>>
      %dma_start3A_23 = arith.constant 0 : i32
      %dma_start3A_24 = tpu.memref_slice %arg4[%mul3A_2, %dma_start3A_23] : memref<10240x80xf32, #tpu.memory_space<hbm>> -> memref<640x80xf32, #tpu.memory_space<hbm>>
      tpu.enqueue_dma source(%dma_start3A_24 : memref<640x80xf32, #tpu.memory_space<hbm>>) target(%dma_start3A_22 : memref<640x80xf32, #tpu.memory_space<vmem_shared>>) target_semaphore(%run_scoped3A : memref<!tpu.dma_semaphore, #tpu.memory_space<semaphore_mem>>)
      %dma_wait3A = arith.constant 0 : i32
      %dma_wait3A_25 = tpu.memref_slice %arg8[%mul3A_2, %dma_wait3A] : memref<10240x80xf32, #tpu.memory_space<vmem_shared>> -> memref<640x80xf32, #tpu.memory_space<vmem_shared>>
      %dma_wait3A_26 = arith.constant 0 : i32
      %dma_wait3A_27 = tpu.memref_slice %arg4[%mul3A_2, %dma_wait3A_26] : memref<10240x80xf32, #tpu.memory_space<hbm>> -> memref<640x80xf32, #tpu.memory_space<hbm>>
      tpu.wait_dma2 semaphore(%run_scoped3A : memref<!tpu.dma_semaphore, #tpu.memory_space<semaphore_mem>>) src(%dma_wait3A_27 : memref<640x80xf32, #tpu.memory_space<hbm>>) dst(%dma_wait3A_25 : memref<640x80xf32, #tpu.memory_space<vmem_shared>>)
      tpu.yield
    }) : () -> ()
    %barrier3A = arith.constant 0 : index
    tpu.barrier barrier_id(%barrier3A)
    %sub3A = arith.constant 625 : i32
    %sub3A_3 = arith.subi %sub3A, %add3A : i32
    %sub3A_4 = arith.constant 32 : i32
    %sub3A_5 = arith.constant 1 : i32
    %sub3A_6 = arith.subi %sub3A_4, %sub3A_5 : i32
    %add3A_7 = arith.addi %sub3A_3, %sub3A_6 : i32
    %div3A = arith.constant 32 : i32
    %div3A_8 = arith.divsi %add3A_7, %div3A : i32
    %while3A = arith.constant 32 : i32
    %while3A_9 = arith.constant 0 : i32
    %while3A_10 = arith.subi %div3A_8, %while3A_9 : i32
    %while3A_11 = arith.addi %while3A_9, %while3A_10 : i32
    %while3A_12 = arith.constant 1 : i32
    %while3A_13 = arith.divsi %while3A_10, %while3A_12 : i32
    %while3A_14 = arith.muli %while3A_13, %while3A_12 : i32
    %while3A_15 = arith.addi %while3A_9, %while3A_14 : i32
    %while3A_16 = arith.constant 1 : i32
    scf.for %while3A_22 = %while3A_9 to %while3A_15 step %while3A_16  : i32 {
      %mul3A_23 = arith.muli %while3A_22, %while3A : i32
      %add3A_24 = arith.addi %add3A, %mul3A_23 : i32
      %mul3A_25 = arith.constant 512 : i32
      %mul3A_26 = arith.muli %add3A_24, %mul3A_25 : i32
      %mul3A_27 = arith.constant 4 : i32
      %mul3A_28 = arith.muli %add3A_24, %mul3A_27 : i32
      %dma_start3A = arith.constant 0 : i32
      %dma_start3A_29 = tpu.memref_slice %arg3[%mul3A_28, %dma_start3A] : memref<2500x128xi32, #tpu.memory_space<hbm>> -> memref<4x128xi32, #tpu.memory_space<hbm>>
      %dma_start3A_30 = arith.constant 0 : i32
      %dma_start3A_31 = tpu.memref_slice %arg3[%mul3A_28, %dma_start3A_30] : memref<2500x128xi32, #tpu.memory_space<hbm>> -> memref<4x128xi32, #tpu.memory_space<hbm>>
      tpu.enqueue_dma source(%dma_start3A_31 : memref<4x128xi32, #tpu.memory_space<hbm>>) target(%arg6 : memref<4x128xi32, #tpu.memory_space<vmem>>) target_semaphore(%arg9 : memref<!tpu.dma_semaphore, #tpu.memory_space<semaphore_mem>>)
      %dma_start3A_32 = arith.constant 0 : i32
      %dma_start3A_33 = tpu.memref_slice %arg2[%mul3A_26, %dma_start3A_32] : memref<320000x80xf32, #tpu.memory_space<hbm>> -> memref<512x80xf32, #tpu.memory_space<hbm>>
      %dma_start3A_34 = arith.constant 0 : i32
      %dma_start3A_35 = tpu.memref_slice %arg2[%mul3A_26, %dma_start3A_34] : memref<320000x80xf32, #tpu.memory_space<hbm>> -> memref<512x80xf32, #tpu.memory_space<hbm>>
      tpu.enqueue_dma source(%dma_start3A_35 : memref<512x80xf32, #tpu.memory_space<hbm>>) target(%arg7 : memref<512x80xf32, #tpu.memory_space<vmem>>) target_semaphore(%arg9 : memref<!tpu.dma_semaphore, #tpu.memory_space<semaphore_mem>>)
      %dma_wait3A = arith.constant 0 : i32
      %dma_wait3A_36 = tpu.memref_slice %arg3[%mul3A_28, %dma_wait3A] : memref<2500x128xi32, #tpu.memory_space<hbm>> -> memref<4x128xi32, #tpu.memory_space<hbm>>
      %dma_wait3A_37 = arith.constant 0 : i32
      %dma_wait3A_38 = tpu.memref_slice %arg3[%mul3A_28, %dma_wait3A_37] : memref<2500x128xi32, #tpu.memory_space<hbm>> -> memref<4x128xi32, #tpu.memory_space<hbm>>
      tpu.wait_dma2 semaphore(%arg9 : memref<!tpu.dma_semaphore, #tpu.memory_space<semaphore_mem>>) src(%dma_wait3A_38 : memref<4x128xi32, #tpu.memory_space<hbm>>) dst(%arg6 : memref<4x128xi32, #tpu.memory_space<vmem>>)
      %dma_wait3A_39 = arith.constant 0 : i32
      %dma_wait3A_40 = tpu.memref_slice %arg2[%mul3A_26, %dma_wait3A_39] : memref<320000x80xf32, #tpu.memory_space<hbm>> -> memref<512x80xf32, #tpu.memory_space<hbm>>
      %dma_wait3A_41 = arith.constant 0 : i32
      %dma_wait3A_42 = tpu.memref_slice %arg2[%mul3A_26, %dma_wait3A_41] : memref<320000x80xf32, #tpu.memory_space<hbm>> -> memref<512x80xf32, #tpu.memory_space<hbm>>
      tpu.wait_dma2 semaphore(%arg9 : memref<!tpu.dma_semaphore, #tpu.memory_space<semaphore_mem>>) src(%dma_wait3A_42 : memref<512x80xf32, #tpu.memory_space<hbm>>) dst(%arg7 : memref<512x80xf32, #tpu.memory_space<vmem>>)
      %run_scoped3A = arith.constant 0 : i32
      "tpu.region"() ({
        %run_scoped3A_46 = tpu.sem_alloc : memref<!tpu.dma_semaphore, #tpu.memory_space<semaphore_mem>>
        %dma_start3A_47 = arith.constant 0 : i32
        %dma_start3A_48 = arith.constant 0 : i32
        %dma_start3A_49 = tpu.memref_slice %arg7[%dma_start3A_47, %dma_start3A_48] : memref<512x80xf32, #tpu.memory_space<vmem>> -> memref<128x80xf32, #tpu.memory_space<vmem>>
        %dma_start3A_50 = arith.constant 0 : i32
        %dma_start3A_51 = tpu.memref_slice %arg6[%run_scoped3A, %dma_start3A_50] : memref<4x128xi32, #tpu.memory_space<vmem>> -> memref<1x128xi32, #tpu.memory_space<vmem>>
        %dma_start3A_52 = tpu.memref_squeeze %dma_start3A_51 : memref<1x128xi32, #tpu.memory_space<vmem>> -> memref<128xi32, #tpu.memory_space<vmem>>
        %dma_start3A_53 = arith.constant 0 : i32
        %dma_start3A_54 = arith.constant 0 : i32
        %dma_start3A_55 = tpu.memref_slice %arg8[%dma_start3A_53, %dma_start3A_54] : memref<10240x80xf32, #tpu.memory_space<vmem_shared>> -> memref<10240x80xf32, #tpu.memory_space<vmem_shared>>
        tpu.enqueue_indirect_dma source(%dma_start3A_49 : memref<128x80xf32, #tpu.memory_space<vmem>>) target(%dma_start3A_55 : memref<10240x80xf32, #tpu.memory_space<vmem_shared>>) offsets(%dma_start3A_52 : memref<128xi32, #tpu.memory_space<vmem>>) semaphore(%run_scoped3A_46 : memref<!tpu.dma_semaphore, #tpu.memory_space<semaphore_mem>>) {add = true}
        %dma_wait3A_56 = arith.constant 0 : i32
        %dma_wait3A_57 = arith.constant 0 : i32
        %dma_wait3A_58 = tpu.memref_slice %arg7[%dma_wait3A_56, %dma_wait3A_57] : memref<512x80xf32, #tpu.memory_space<vmem>> -> memref<128x80xf32, #tpu.memory_space<vmem>>
        %dma_wait3A_59 = arith.constant 0 : i32
        %dma_wait3A_60 = tpu.memref_slice %arg6[%run_scoped3A, %dma_wait3A_59] : memref<4x128xi32, #tpu.memory_space<vmem>> -> memref<1x128xi32, #tpu.memory_space<vmem>>
        %dma_wait3A_61 = tpu.memref_squeeze %dma_wait3A_60 : memref<1x128xi32, #tpu.memory_space<vmem>> -> memref<128xi32, #tpu.memory_space<vmem>>
        %dma_wait3A_62 = arith.constant 0 : i32
        %dma_wait3A_63 = arith.constant 0 : i32
        %dma_wait3A_64 = tpu.memref_slice %arg8[%dma_wait3A_62, %dma_wait3A_63] : memref<10240x80xf32, #tpu.memory_space<vmem_shared>> -> memref<10240x80xf32, #tpu.memory_space<vmem_shared>>
        tpu.wait_indirect_dma semaphore(%run_scoped3A_46 : memref<!tpu.dma_semaphore, #tpu.memory_space<semaphore_mem>>) src(%dma_wait3A_58 : memref<128x80xf32, #tpu.memory_space<vmem>>) dst(%dma_wait3A_64 : memref<10240x80xf32, #tpu.memory_space<vmem_shared>>)
        tpu.yield
      }) : () -> ()
      %run_scoped3A_43 = arith.constant 1 : i32
      "tpu.region"() ({
        %run_scoped3A_46 = tpu.sem_alloc : memref<!tpu.dma_semaphore, #tpu.memory_space<semaphore_mem>>
        %dma_start3A_47 = arith.constant 128 : i32
        %dma_start3A_48 = arith.constant 0 : i32
        %dma_start3A_49 = tpu.memref_slice %arg7[%dma_start3A_47, %dma_start3A_48] : memref<512x80xf32, #tpu.memory_space<vmem>> -> memref<128x80xf32, #tpu.memory_space<vmem>>
        %dma_start3A_50 = arith.constant 0 : i32
        %dma_start3A_51 = tpu.memref_slice %arg6[%run_scoped3A_43, %dma_start3A_50] : memref<4x128xi32, #tpu.memory_space<vmem>> -> memref<1x128xi32, #tpu.memory_space<vmem>>
        %dma_start3A_52 = tpu.memref_squeeze %dma_start3A_51 : memref<1x128xi32, #tpu.memory_space<vmem>> -> memref<128xi32, #tpu.memory_space<vmem>>
        %dma_start3A_53 = arith.constant 0 : i32
        %dma_start3A_54 = arith.constant 0 : i32
        %dma_start3A_55 = tpu.memref_slice %arg8[%dma_start3A_53, %dma_start3A_54] : memref<10240x80xf32, #tpu.memory_space<vmem_shared>> -> memref<10240x80xf32, #tpu.memory_space<vmem_shared>>
        tpu.enqueue_indirect_dma source(%dma_start3A_49 : memref<128x80xf32, #tpu.memory_space<vmem>>) target(%dma_start3A_55 : memref<10240x80xf32, #tpu.memory_space<vmem_shared>>) offsets(%dma_start3A_52 : memref<128xi32, #tpu.memory_space<vmem>>) semaphore(%run_scoped3A_46 : memref<!tpu.dma_semaphore, #tpu.memory_space<semaphore_mem>>) {add = true}
        %dma_wait3A_56 = arith.constant 128 : i32
        %dma_wait3A_57 = arith.constant 0 : i32
        %dma_wait3A_58 = tpu.memref_slice %arg7[%dma_wait3A_56, %dma_wait3A_57] : memref<512x80xf32, #tpu.memory_space<vmem>> -> memref<128x80xf32, #tpu.memory_space<vmem>>
        %dma_wait3A_59 = arith.constant 0 : i32
        %dma_wait3A_60 = tpu.memref_slice %arg6[%run_scoped3A_43, %dma_wait3A_59] : memref<4x128xi32, #tpu.memory_space<vmem>> -> memref<1x128xi32, #tpu.memory_space<vmem>>
        %dma_wait3A_61 = tpu.memref_squeeze %dma_wait3A_60 : memref<1x128xi32, #tpu.memory_space<vmem>> -> memref<128xi32, #tpu.memory_space<vmem>>
        %dma_wait3A_62 = arith.constant 0 : i32
        %dma_wait3A_63 = arith.constant 0 : i32
        %dma_wait3A_64 = tpu.memref_slice %arg8[%dma_wait3A_62, %dma_wait3A_63] : memref<10240x80xf32, #tpu.memory_space<vmem_shared>> -> memref<10240x80xf32, #tpu.memory_space<vmem_shared>>
        tpu.wait_indirect_dma semaphore(%run_scoped3A_46 : memref<!tpu.dma_semaphore, #tpu.memory_space<semaphore_mem>>) src(%dma_wait3A_58 : memref<128x80xf32, #tpu.memory_space<vmem>>) dst(%dma_wait3A_64 : memref<10240x80xf32, #tpu.memory_space<vmem_shared>>)
        tpu.yield
      }) : () -> ()
      %run_scoped3A_44 = arith.constant 2 : i32
      "tpu.region"() ({
        %run_scoped3A_46 = tpu.sem_alloc : memref<!tpu.dma_semaphore, #tpu.memory_space<semaphore_mem>>
        %dma_start3A_47 = arith.constant 256 : i32
        %dma_start3A_48 = arith.constant 0 : i32
        %dma_start3A_49 = tpu.memref_slice %arg7[%dma_start3A_47, %dma_start3A_48] : memref<512x80xf32, #tpu.memory_space<vmem>> -> memref<128x80xf32, #tpu.memory_space<vmem>>
        %dma_start3A_50 = arith.constant 0 : i32
        %dma_start3A_51 = tpu.memref_slice %arg6[%run_scoped3A_44, %dma_start3A_50] : memref<4x128xi32, #tpu.memory_space<vmem>> -> memref<1x128xi32, #tpu.memory_space<vmem>>
        %dma_start3A_52 = tpu.memref_squeeze %dma_start3A_51 : memref<1x128xi32, #tpu.memory_space<vmem>> -> memref<128xi32, #tpu.memory_space<vmem>>
        %dma_start3A_53 = arith.constant 0 : i32
        %dma_start3A_54 = arith.constant 0 : i32
        %dma_start3A_55 = tpu.memref_slice %arg8[%dma_start3A_53, %dma_start3A_54] : memref<10240x80xf32, #tpu.memory_space<vmem_shared>> -> memref<10240x80xf32, #tpu.memory_space<vmem_shared>>
        tpu.enqueue_indirect_dma source(%dma_start3A_49 : memref<128x80xf32, #tpu.memory_space<vmem>>) target(%dma_start3A_55 : memref<10240x80xf32, #tpu.memory_space<vmem_shared>>) offsets(%dma_start3A_52 : memref<128xi32, #tpu.memory_space<vmem>>) semaphore(%run_scoped3A_46 : memref<!tpu.dma_semaphore, #tpu.memory_space<semaphore_mem>>) {add = true}
        %dma_wait3A_56 = arith.constant 256 : i32
        %dma_wait3A_57 = arith.constant 0 : i32
        %dma_wait3A_58 = tpu.memref_slice %arg7[%dma_wait3A_56, %dma_wait3A_57] : memref<512x80xf32, #tpu.memory_space<vmem>> -> memref<128x80xf32, #tpu.memory_space<vmem>>
        %dma_wait3A_59 = arith.constant 0 : i32
        %dma_wait3A_60 = tpu.memref_slice %arg6[%run_scoped3A_44, %dma_wait3A_59] : memref<4x128xi32, #tpu.memory_space<vmem>> -> memref<1x128xi32, #tpu.memory_space<vmem>>
        %dma_wait3A_61 = tpu.memref_squeeze %dma_wait3A_60 : memref<1x128xi32, #tpu.memory_space<vmem>> -> memref<128xi32, #tpu.memory_space<vmem>>
        %dma_wait3A_62 = arith.constant 0 : i32
        %dma_wait3A_63 = arith.constant 0 : i32
        %dma_wait3A_64 = tpu.memref_slice %arg8[%dma_wait3A_62, %dma_wait3A_63] : memref<10240x80xf32, #tpu.memory_space<vmem_shared>> -> memref<10240x80xf32, #tpu.memory_space<vmem_shared>>
        tpu.wait_indirect_dma semaphore(%run_scoped3A_46 : memref<!tpu.dma_semaphore, #tpu.memory_space<semaphore_mem>>) src(%dma_wait3A_58 : memref<128x80xf32, #tpu.memory_space<vmem>>) dst(%dma_wait3A_64 : memref<10240x80xf32, #tpu.memory_space<vmem_shared>>)
        tpu.yield
      }) : () -> ()
      %run_scoped3A_45 = arith.constant 3 : i32
      "tpu.region"() ({
        %run_scoped3A_46 = tpu.sem_alloc : memref<!tpu.dma_semaphore, #tpu.memory_space<semaphore_mem>>
        %dma_start3A_47 = arith.constant 384 : i32
        %dma_start3A_48 = arith.constant 0 : i32
        %dma_start3A_49 = tpu.memref_slice %arg7[%dma_start3A_47, %dma_start3A_48] : memref<512x80xf32, #tpu.memory_space<vmem>> -> memref<128x80xf32, #tpu.memory_space<vmem>>
        %dma_start3A_50 = arith.constant 0 : i32
        %dma_start3A_51 = tpu.memref_slice %arg6[%run_scoped3A_45, %dma_start3A_50] : memref<4x128xi32, #tpu.memory_space<vmem>> -> memref<1x128xi32, #tpu.memory_space<vmem>>
        %dma_start3A_52 = tpu.memref_squeeze %dma_start3A_51 : memref<1x128xi32, #tpu.memory_space<vmem>> -> memref<128xi32, #tpu.memory_space<vmem>>
        %dma_start3A_53 = arith.constant 0 : i32
        %dma_start3A_54 = arith.constant 0 : i32
        %dma_start3A_55 = tpu.memref_slice %arg8[%dma_start3A_53, %dma_start3A_54] : memref<10240x80xf32, #tpu.memory_space<vmem_shared>> -> memref<10240x80xf32, #tpu.memory_space<vmem_shared>>
        tpu.enqueue_indirect_dma source(%dma_start3A_49 : memref<128x80xf32, #tpu.memory_space<vmem>>) target(%dma_start3A_55 : memref<10240x80xf32, #tpu.memory_space<vmem_shared>>) offsets(%dma_start3A_52 : memref<128xi32, #tpu.memory_space<vmem>>) semaphore(%run_scoped3A_46 : memref<!tpu.dma_semaphore, #tpu.memory_space<semaphore_mem>>) {add = true}
        %dma_wait3A_56 = arith.constant 384 : i32
        %dma_wait3A_57 = arith.constant 0 : i32
        %dma_wait3A_58 = tpu.memref_slice %arg7[%dma_wait3A_56, %dma_wait3A_57] : memref<512x80xf32, #tpu.memory_space<vmem>> -> memref<128x80xf32, #tpu.memory_space<vmem>>
        %dma_wait3A_59 = arith.constant 0 : i32
        %dma_wait3A_60 = tpu.memref_slice %arg6[%run_scoped3A_45, %dma_wait3A_59] : memref<4x128xi32, #tpu.memory_space<vmem>> -> memref<1x128xi32, #tpu.memory_space<vmem>>
        %dma_wait3A_61 = tpu.memref_squeeze %dma_wait3A_60 : memref<1x128xi32, #tpu.memory_space<vmem>> -> memref<128xi32, #tpu.memory_space<vmem>>
        %dma_wait3A_62 = arith.constant 0 : i32
        %dma_wait3A_63 = arith.constant 0 : i32
        %dma_wait3A_64 = tpu.memref_slice %arg8[%dma_wait3A_62, %dma_wait3A_63] : memref<10240x80xf32, #tpu.memory_space<vmem_shared>> -> memref<10240x80xf32, #tpu.memory_space<vmem_shared>>
        tpu.wait_indirect_dma semaphore(%run_scoped3A_46 : memref<!tpu.dma_semaphore, #tpu.memory_space<semaphore_mem>>) src(%dma_wait3A_58 : memref<128x80xf32, #tpu.memory_space<vmem>>) dst(%dma_wait3A_64 : memref<10240x80xf32, #tpu.memory_space<vmem_shared>>)
        tpu.yield
      }) : () -> ()
    }
    %while3A_17 = arith.constant 1 : i32
    scf.for %while3A_22 = %while3A_15 to %while3A_11 step %while3A_17  : i32 {
      %mul3A_23 = arith.muli %while3A_22, %while3A : i32
      %add3A_24 = arith.addi %add3A, %mul3A_23 : i32
      %mul3A_25 = arith.constant 512 : i32
      %mul3A_26 = arith.muli %add3A_24, %mul3A_25 : i32
      %mul3A_27 = arith.constant 4 : i32
      %mul3A_28 = arith.muli %add3A_24, %mul3A_27 : i32
      %dma_start3A = arith.constant 0 : i32
      %dma_start3A_29 = tpu.memref_slice %arg3[%mul3A_28, %dma_start3A] : memref<2500x128xi32, #tpu.memory_space<hbm>> -> memref<4x128xi32, #tpu.memory_space<hbm>>
      %dma_start3A_30 = arith.constant 0 : i32
      %dma_start3A_31 = tpu.memref_slice %arg3[%mul3A_28, %dma_start3A_30] : memref<2500x128xi32, #tpu.memory_space<hbm>> -> memref<4x128xi32, #tpu.memory_space<hbm>>
      tpu.enqueue_dma source(%dma_start3A_31 : memref<4x128xi32, #tpu.memory_space<hbm>>) target(%arg6 : memref<4x128xi32, #tpu.memory_space<vmem>>) target_semaphore(%arg9 : memref<!tpu.dma_semaphore, #tpu.memory_space<semaphore_mem>>)
      %dma_start3A_32 = arith.constant 0 : i32
      %dma_start3A_33 = tpu.memref_slice %arg2[%mul3A_26, %dma_start3A_32] : memref<320000x80xf32, #tpu.memory_space<hbm>> -> memref<512x80xf32, #tpu.memory_space<hbm>>
      %dma_start3A_34 = arith.constant 0 : i32
      %dma_start3A_35 = tpu.memref_slice %arg2[%mul3A_26, %dma_start3A_34] : memref<320000x80xf32, #tpu.memory_space<hbm>> -> memref<512x80xf32, #tpu.memory_space<hbm>>
      tpu.enqueue_dma source(%dma_start3A_35 : memref<512x80xf32, #tpu.memory_space<hbm>>) target(%arg7 : memref<512x80xf32, #tpu.memory_space<vmem>>) target_semaphore(%arg9 : memref<!tpu.dma_semaphore, #tpu.memory_space<semaphore_mem>>)
      %dma_wait3A = arith.constant 0 : i32
      %dma_wait3A_36 = tpu.memref_slice %arg3[%mul3A_28, %dma_wait3A] : memref<2500x128xi32, #tpu.memory_space<hbm>> -> memref<4x128xi32, #tpu.memory_space<hbm>>
      %dma_wait3A_37 = arith.constant 0 : i32
      %dma_wait3A_38 = tpu.memref_slice %arg3[%mul3A_28, %dma_wait3A_37] : memref<2500x128xi32, #tpu.memory_space<hbm>> -> memref<4x128xi32, #tpu.memory_space<hbm>>
      tpu.wait_dma2 semaphore(%arg9 : memref<!tpu.dma_semaphore, #tpu.memory_space<semaphore_mem>>) src(%dma_wait3A_38 : memref<4x128xi32, #tpu.memory_space<hbm>>) dst(%arg6 : memref<4x128xi32, #tpu.memory_space<vmem>>)
      %dma_wait3A_39 = arith.constant 0 : i32
      %dma_wait3A_40 = tpu.memref_slice %arg2[%mul3A_26, %dma_wait3A_39] : memref<320000x80xf32, #tpu.memory_space<hbm>> -> memref<512x80xf32, #tpu.memory_space<hbm>>
      %dma_wait3A_41 = arith.constant 0 : i32
      %dma_wait3A_42 = tpu.memref_slice %arg2[%mul3A_26, %dma_wait3A_41] : memref<320000x80xf32, #tpu.memory_space<hbm>> -> memref<512x80xf32, #tpu.memory_space<hbm>>
      tpu.wait_dma2 semaphore(%arg9 : memref<!tpu.dma_semaphore, #tpu.memory_space<semaphore_mem>>) src(%dma_wait3A_42 : memref<512x80xf32, #tpu.memory_space<hbm>>) dst(%arg7 : memref<512x80xf32, #tpu.memory_space<vmem>>)
      %run_scoped3A = arith.constant 0 : i32
      "tpu.region"() ({
        %run_scoped3A_46 = tpu.sem_alloc : memref<!tpu.dma_semaphore, #tpu.memory_space<semaphore_mem>>
        %dma_start3A_47 = arith.constant 0 : i32
        %dma_start3A_48 = arith.constant 0 : i32
        %dma_start3A_49 = tpu.memref_slice %arg7[%dma_start3A_47, %dma_start3A_48] : memref<512x80xf32, #tpu.memory_space<vmem>> -> memref<128x80xf32, #tpu.memory_space<vmem>>
        %dma_start3A_50 = arith.constant 0 : i32
        %dma_start3A_51 = tpu.memref_slice %arg6[%run_scoped3A, %dma_start3A_50] : memref<4x128xi32, #tpu.memory_space<vmem>> -> memref<1x128xi32, #tpu.memory_space<vmem>>
        %dma_start3A_52 = tpu.memref_squeeze %dma_start3A_51 : memref<1x128xi32, #tpu.memory_space<vmem>> -> memref<128xi32, #tpu.memory_space<vmem>>
        %dma_start3A_53 = arith.constant 0 : i32
        %dma_start3A_54 = arith.constant 0 : i32
        %dma_start3A_55 = tpu.memref_slice %arg8[%dma_start3A_53, %dma_start3A_54] : memref<10240x80xf32, #tpu.memory_space<vmem_shared>> -> memref<10240x80xf32, #tpu.memory_space<vmem_shared>>
        tpu.enqueue_indirect_dma source(%dma_start3A_49 : memref<128x80xf32, #tpu.memory_space<vmem>>) target(%dma_start3A_55 : memref<10240x80xf32, #tpu.memory_space<vmem_shared>>) offsets(%dma_start3A_52 : memref<128xi32, #tpu.memory_space<vmem>>) semaphore(%run_scoped3A_46 : memref<!tpu.dma_semaphore, #tpu.memory_space<semaphore_mem>>) {add = true}
        %dma_wait3A_56 = arith.constant 0 : i32
        %dma_wait3A_57 = arith.constant 0 : i32
        %dma_wait3A_58 = tpu.memref_slice %arg7[%dma_wait3A_56, %dma_wait3A_57] : memref<512x80xf32, #tpu.memory_space<vmem>> -> memref<128x80xf32, #tpu.memory_space<vmem>>
        %dma_wait3A_59 = arith.constant 0 : i32
        %dma_wait3A_60 = tpu.memref_slice %arg6[%run_scoped3A, %dma_wait3A_59] : memref<4x128xi32, #tpu.memory_space<vmem>> -> memref<1x128xi32, #tpu.memory_space<vmem>>
        %dma_wait3A_61 = tpu.memref_squeeze %dma_wait3A_60 : memref<1x128xi32, #tpu.memory_space<vmem>> -> memref<128xi32, #tpu.memory_space<vmem>>
        %dma_wait3A_62 = arith.constant 0 : i32
        %dma_wait3A_63 = arith.constant 0 : i32
        %dma_wait3A_64 = tpu.memref_slice %arg8[%dma_wait3A_62, %dma_wait3A_63] : memref<10240x80xf32, #tpu.memory_space<vmem_shared>> -> memref<10240x80xf32, #tpu.memory_space<vmem_shared>>
        tpu.wait_indirect_dma semaphore(%run_scoped3A_46 : memref<!tpu.dma_semaphore, #tpu.memory_space<semaphore_mem>>) src(%dma_wait3A_58 : memref<128x80xf32, #tpu.memory_space<vmem>>) dst(%dma_wait3A_64 : memref<10240x80xf32, #tpu.memory_space<vmem_shared>>)
        tpu.yield
      }) : () -> ()
      %run_scoped3A_43 = arith.constant 1 : i32
      "tpu.region"() ({
        %run_scoped3A_46 = tpu.sem_alloc : memref<!tpu.dma_semaphore, #tpu.memory_space<semaphore_mem>>
        %dma_start3A_47 = arith.constant 128 : i32
        %dma_start3A_48 = arith.constant 0 : i32
        %dma_start3A_49 = tpu.memref_slice %arg7[%dma_start3A_47, %dma_start3A_48] : memref<512x80xf32, #tpu.memory_space<vmem>> -> memref<128x80xf32, #tpu.memory_space<vmem>>
        %dma_start3A_50 = arith.constant 0 : i32
        %dma_start3A_51 = tpu.memref_slice %arg6[%run_scoped3A_43, %dma_start3A_50] : memref<4x128xi32, #tpu.memory_space<vmem>> -> memref<1x128xi32, #tpu.memory_space<vmem>>
        %dma_start3A_52 = tpu.memref_squeeze %dma_start3A_51 : memref<1x128xi32, #tpu.memory_space<vmem>> -> memref<128xi32, #tpu.memory_space<vmem>>
        %dma_start3A_53 = arith.constant 0 : i32
        %dma_start3A_54 = arith.constant 0 : i32
        %dma_start3A_55 = tpu.memref_slice %arg8[%dma_start3A_53, %dma_start3A_54] : memref<10240x80xf32, #tpu.memory_space<vmem_shared>> -> memref<10240x80xf32, #tpu.memory_space<vmem_shared>>
        tpu.enqueue_indirect_dma source(%dma_start3A_49 : memref<128x80xf32, #tpu.memory_space<vmem>>) target(%dma_start3A_55 : memref<10240x80xf32, #tpu.memory_space<vmem_shared>>) offsets(%dma_start3A_52 : memref<128xi32, #tpu.memory_space<vmem>>) semaphore(%run_scoped3A_46 : memref<!tpu.dma_semaphore, #tpu.memory_space<semaphore_mem>>) {add = true}
        %dma_wait3A_56 = arith.constant 128 : i32
        %dma_wait3A_57 = arith.constant 0 : i32
        %dma_wait3A_58 = tpu.memref_slice %arg7[%dma_wait3A_56, %dma_wait3A_57] : memref<512x80xf32, #tpu.memory_space<vmem>> -> memref<128x80xf32, #tpu.memory_space<vmem>>
        %dma_wait3A_59 = arith.constant 0 : i32
        %dma_wait3A_60 = tpu.memref_slice %arg6[%run_scoped3A_43, %dma_wait3A_59] : memref<4x128xi32, #tpu.memory_space<vmem>> -> memref<1x128xi32, #tpu.memory_space<vmem>>
        %dma_wait3A_61 = tpu.memref_squeeze %dma_wait3A_60 : memref<1x128xi32, #tpu.memory_space<vmem>> -> memref<128xi32, #tpu.memory_space<vmem>>
        %dma_wait3A_62 = arith.constant 0 : i32
        %dma_wait3A_63 = arith.constant 0 : i32
        %dma_wait3A_64 = tpu.memref_slice %arg8[%dma_wait3A_62, %dma_wait3A_63] : memref<10240x80xf32, #tpu.memory_space<vmem_shared>> -> memref<10240x80xf32, #tpu.memory_space<vmem_shared>>
        tpu.wait_indirect_dma semaphore(%run_scoped3A_46 : memref<!tpu.dma_semaphore, #tpu.memory_space<semaphore_mem>>) src(%dma_wait3A_58 : memref<128x80xf32, #tpu.memory_space<vmem>>) dst(%dma_wait3A_64 : memref<10240x80xf32, #tpu.memory_space<vmem_shared>>)
        tpu.yield
      }) : () -> ()
      %run_scoped3A_44 = arith.constant 2 : i32
      "tpu.region"() ({
        %run_scoped3A_46 = tpu.sem_alloc : memref<!tpu.dma_semaphore, #tpu.memory_space<semaphore_mem>>
        %dma_start3A_47 = arith.constant 256 : i32
        %dma_start3A_48 = arith.constant 0 : i32
        %dma_start3A_49 = tpu.memref_slice %arg7[%dma_start3A_47, %dma_start3A_48] : memref<512x80xf32, #tpu.memory_space<vmem>> -> memref<128x80xf32, #tpu.memory_space<vmem>>
        %dma_start3A_50 = arith.constant 0 : i32
        %dma_start3A_51 = tpu.memref_slice %arg6[%run_scoped3A_44, %dma_start3A_50] : memref<4x128xi32, #tpu.memory_space<vmem>> -> memref<1x128xi32, #tpu.memory_space<vmem>>
        %dma_start3A_52 = tpu.memref_squeeze %dma_start3A_51 : memref<1x128xi32, #tpu.memory_space<vmem>> -> memref<128xi32, #tpu.memory_space<vmem>>
        %dma_start3A_53 = arith.constant 0 : i32
        %dma_start3A_54 = arith.constant 0 : i32
        %dma_start3A_55 = tpu.memref_slice %arg8[%dma_start3A_53, %dma_start3A_54] : memref<10240x80xf32, #tpu.memory_space<vmem_shared>> -> memref<10240x80xf32, #tpu.memory_space<vmem_shared>>
        tpu.enqueue_indirect_dma source(%dma_start3A_49 : memref<128x80xf32, #tpu.memory_space<vmem>>) target(%dma_start3A_55 : memref<10240x80xf32, #tpu.memory_space<vmem_shared>>) offsets(%dma_start3A_52 : memref<128xi32, #tpu.memory_space<vmem>>) semaphore(%run_scoped3A_46 : memref<!tpu.dma_semaphore, #tpu.memory_space<semaphore_mem>>) {add = true}
        %dma_wait3A_56 = arith.constant 256 : i32
        %dma_wait3A_57 = arith.constant 0 : i32
        %dma_wait3A_58 = tpu.memref_slice %arg7[%dma_wait3A_56, %dma_wait3A_57] : memref<512x80xf32, #tpu.memory_space<vmem>> -> memref<128x80xf32, #tpu.memory_space<vmem>>
        %dma_wait3A_59 = arith.constant 0 : i32
        %dma_wait3A_60 = tpu.memref_slice %arg6[%run_scoped3A_44, %dma_wait3A_59] : memref<4x128xi32, #tpu.memory_space<vmem>> -> memref<1x128xi32, #tpu.memory_space<vmem>>
        %dma_wait3A_61 = tpu.memref_squeeze %dma_wait3A_60 : memref<1x128xi32, #tpu.memory_space<vmem>> -> memref<128xi32, #tpu.memory_space<vmem>>
        %dma_wait3A_62 = arith.constant 0 : i32
        %dma_wait3A_63 = arith.constant 0 : i32
        %dma_wait3A_64 = tpu.memref_slice %arg8[%dma_wait3A_62, %dma_wait3A_63] : memref<10240x80xf32, #tpu.memory_space<vmem_shared>> -> memref<10240x80xf32, #tpu.memory_space<vmem_shared>>
        tpu.wait_indirect_dma semaphore(%run_scoped3A_46 : memref<!tpu.dma_semaphore, #tpu.memory_space<semaphore_mem>>) src(%dma_wait3A_58 : memref<128x80xf32, #tpu.memory_space<vmem>>) dst(%dma_wait3A_64 : memref<10240x80xf32, #tpu.memory_space<vmem_shared>>)
        tpu.yield
      }) : () -> ()
      %run_scoped3A_45 = arith.constant 3 : i32
      "tpu.region"() ({
        %run_scoped3A_46 = tpu.sem_alloc : memref<!tpu.dma_semaphore, #tpu.memory_space<semaphore_mem>>
        %dma_start3A_47 = arith.constant 384 : i32
        %dma_start3A_48 = arith.constant 0 : i32
        %dma_start3A_49 = tpu.memref_slice %arg7[%dma_start3A_47, %dma_start3A_48] : memref<512x80xf32, #tpu.memory_space<vmem>> -> memref<128x80xf32, #tpu.memory_space<vmem>>
        %dma_start3A_50 = arith.constant 0 : i32
        %dma_start3A_51 = tpu.memref_slice %arg6[%run_scoped3A_45, %dma_start3A_50] : memref<4x128xi32, #tpu.memory_space<vmem>> -> memref<1x128xi32, #tpu.memory_space<vmem>>
        %dma_start3A_52 = tpu.memref_squeeze %dma_start3A_51 : memref<1x128xi32, #tpu.memory_space<vmem>> -> memref<128xi32, #tpu.memory_space<vmem>>
        %dma_start3A_53 = arith.constant 0 : i32
        %dma_start3A_54 = arith.constant 0 : i32
        %dma_start3A_55 = tpu.memref_slice %arg8[%dma_start3A_53, %dma_start3A_54] : memref<10240x80xf32, #tpu.memory_space<vmem_shared>> -> memref<10240x80xf32, #tpu.memory_space<vmem_shared>>
        tpu.enqueue_indirect_dma source(%dma_start3A_49 : memref<128x80xf32, #tpu.memory_space<vmem>>) target(%dma_start3A_55 : memref<10240x80xf32, #tpu.memory_space<vmem_shared>>) offsets(%dma_start3A_52 : memref<128xi32, #tpu.memory_space<vmem>>) semaphore(%run_scoped3A_46 : memref<!tpu.dma_semaphore, #tpu.memory_space<semaphore_mem>>) {add = true}
        %dma_wait3A_56 = arith.constant 384 : i32
        %dma_wait3A_57 = arith.constant 0 : i32
        %dma_wait3A_58 = tpu.memref_slice %arg7[%dma_wait3A_56, %dma_wait3A_57] : memref<512x80xf32, #tpu.memory_space<vmem>> -> memref<128x80xf32, #tpu.memory_space<vmem>>
        %dma_wait3A_59 = arith.constant 0 : i32
        %dma_wait3A_60 = tpu.memref_slice %arg6[%run_scoped3A_45, %dma_wait3A_59] : memref<4x128xi32, #tpu.memory_space<vmem>> -> memref<1x128xi32, #tpu.memory_space<vmem>>
        %dma_wait3A_61 = tpu.memref_squeeze %dma_wait3A_60 : memref<1x128xi32, #tpu.memory_space<vmem>> -> memref<128xi32, #tpu.memory_space<vmem>>
        %dma_wait3A_62 = arith.constant 0 : i32
        %dma_wait3A_63 = arith.constant 0 : i32
        %dma_wait3A_64 = tpu.memref_slice %arg8[%dma_wait3A_62, %dma_wait3A_63] : memref<10240x80xf32, #tpu.memory_space<vmem_shared>> -> memref<10240x80xf32, #tpu.memory_space<vmem_shared>>
        tpu.wait_indirect_dma semaphore(%run_scoped3A_46 : memref<!tpu.dma_semaphore, #tpu.memory_space<semaphore_mem>>) src(%dma_wait3A_58 : memref<128x80xf32, #tpu.memory_space<vmem>>) dst(%dma_wait3A_64 : memref<10240x80xf32, #tpu.memory_space<vmem_shared>>)
        tpu.yield
      }) : () -> ()
    }
    %barrier3A_18 = arith.constant 0 : index
    tpu.barrier barrier_id(%barrier3A_18)
    %mul3A_19 = arith.constant 10240 : i32
    %mul3A_20 = arith.muli %arg0, %mul3A_19 : i32
    %add3A_21 = arith.addi %mul3A_20, %mul3A_2 : i32
    "tpu.region"() ({
      %run_scoped3A = tpu.sem_alloc : memref<!tpu.dma_semaphore, #tpu.memory_space<semaphore_mem>>
      %dma_start3A = arith.constant 0 : i32
      %dma_start3A_22 = tpu.memref_slice %arg5[%add3A_21, %dma_start3A] : memref<20480x80xf32, #tpu.memory_space<hbm>> -> memref<640x80xf32, #tpu.memory_space<hbm>>
      %dma_start3A_23 = arith.constant 0 : i32
      %dma_start3A_24 = tpu.memref_slice %arg8[%mul3A_2, %dma_start3A_23] : memref<10240x80xf32, #tpu.memory_space<vmem_shared>> -> memref<640x80xf32, #tpu.memory_space<vmem_shared>>
      tpu.enqueue_dma source(%dma_start3A_24 : memref<640x80xf32, #tpu.memory_space<vmem_shared>>) target(%dma_start3A_22 : memref<640x80xf32, #tpu.memory_space<hbm>>) target_semaphore(%run_scoped3A : memref<!tpu.dma_semaphore, #tpu.memory_space<semaphore_mem>>)
      %dma_wait3A = arith.constant 0 : i32
      %dma_wait3A_25 = tpu.memref_slice %arg5[%add3A_21, %dma_wait3A] : memref<20480x80xf32, #tpu.memory_space<hbm>> -> memref<640x80xf32, #tpu.memory_space<hbm>>
      %dma_wait3A_26 = arith.constant 0 : i32
      %dma_wait3A_27 = tpu.memref_slice %arg8[%mul3A_2, %dma_wait3A_26] : memref<10240x80xf32, #tpu.memory_space<vmem_shared>> -> memref<640x80xf32, #tpu.memory_space<vmem_shared>>
      tpu.wait_dma2 semaphore(%run_scoped3A : memref<!tpu.dma_semaphore, #tpu.memory_space<semaphore_mem>>) src(%dma_wait3A_27 : memref<640x80xf32, #tpu.memory_space<vmem_shared>>) dst(%dma_wait3A_25 : memref<640x80xf32, #tpu.memory_space<hbm>>)
      tpu.yield
    }) : () -> ()
    return
  }
}

module attributes {stable_mosaic.version = 14 : i64} {
  func.func @_pre_body(%arg0: memref<10000x128xf32, #tpu.memory_space<vmem>>, %arg1: memref<16x32xf32, #tpu.memory_space<vmem>>, %arg2: memref<10000x1xi32, #tpu.memory_space<vmem>>, %arg3: memref<304x32xf32, #tpu.memory_space<vmem>>, %arg4: memref<1x32xf32, #tpu.memory_space<vmem>>, %arg5: memref<128x64xf32, #tpu.memory_space<vmem>>, %arg6: memref<1x64xf32, #tpu.memory_space<vmem>>, %arg7: memref<10000x128xf32, #tpu.memory_space<vmem>>, %arg8: memref<10000x32xf32, #tpu.memory_space<vmem>>) attributes {dimension_semantics = [], scalar_prefetch = 0 : i64, scratch_operands = 0 : i64, tpu.core_type = #tpu.core_type<tc>} {
    %get3A = arith.constant 0 : index
    %get3A_0 = arith.constant 0 : index
    %get3A_1 = vector.load %arg0[%get3A, %get3A_0] : memref<10000x128xf32, #tpu.memory_space<vmem>>, vector<10000x128xf32>
    %get3A_2 = arith.constant 0 : index
    %get3A_3 = arith.constant 0 : index
    %get3A_4 = vector.load %arg3[%get3A_2, %get3A_3] : memref<304x32xf32, #tpu.memory_space<vmem>>, vector<304x32xf32>
    %get3A_5 = arith.constant 0 : index
    %get3A_6 = arith.constant 0 : index
    %get3A_7 = vector.load %arg2[%get3A_5, %get3A_6] : memref<10000x1xi32, #tpu.memory_space<vmem>>, vector<10000x1xi32>
    %iota3A = tpu.iota {dimensions = array<i32: 1>} : vector<10000x16xi32>
    %eq3A = vector.broadcast %get3A_7 : vector<10000x1xi32> to vector<10000x16xi32>
    %eq3A_8 = arith.cmpi eq, %eq3A, %iota3A : vector<10000x16xi32>
    %convert_element_type3A = arith.extui %eq3A_8 : vector<10000x16xi1> to vector<10000x16xi32>
    %convert_element_type3A_9 = arith.sitofp %convert_element_type3A : vector<10000x16xi32> to vector<10000x16xf32>
    %get3A_10 = arith.constant 0 : index
    %get3A_11 = arith.constant 0 : index
    %get3A_12 = vector.load %arg1[%get3A_10, %get3A_11] : memref<16x32xf32, #tpu.memory_space<vmem>>, vector<16x32xf32>
    %slice3A = vector.extract_strided_slice %get3A_4 {offsets = [272, 0], sizes = [32, 32], strides = [1, 1]} : vector<304x32xf32> to vector<32x32xf32>
    %dot_general3A = arith.constant dense<0.000000e+00> : vector<16x32xf32>
    %dot_general3A_13 = tpu.matmul %get3A_12, %slice3A, %dot_general3A {dimension_numbers = #tpu.dot_dimension_numbers<[1], [0], [0], [1], [0, 0, 1, 1], [], []>, transpose_lhs_hint = false} : vector<16x32xf32>, vector<32x32xf32>, vector<16x32xf32> -> vector<16x32xf32>
    %slice3A_14 = vector.extract_strided_slice %get3A_4 {offsets = [0, 0], sizes = [128, 32], strides = [1, 1]} : vector<304x32xf32> to vector<128x32xf32>
    %dot_general3A_15 = arith.constant dense<0.000000e+00> : vector<10000x32xf32>
    %dot_general3A_16 = tpu.matmul %get3A_1, %slice3A_14, %dot_general3A_15 {dimension_numbers = #tpu.dot_dimension_numbers<[1], [0], [0], [1], [0, 0, 1, 1], [], []>, transpose_lhs_hint = false} : vector<10000x128xf32>, vector<128x32xf32>, vector<10000x32xf32> -> vector<10000x32xf32>
    %dot_general3A_17 = arith.constant dense<0.000000e+00> : vector<10000x32xf32>
    %dot_general3A_18 = tpu.matmul %convert_element_type3A_9, %dot_general3A_13, %dot_general3A_17 {dimension_numbers = #tpu.dot_dimension_numbers<[1], [0], [0], [1], [0, 0, 1, 1], [], []>, transpose_lhs_hint = false} : vector<10000x16xf32>, vector<16x32xf32>, vector<10000x32xf32> -> vector<10000x32xf32>
    %add3A = arith.addf %dot_general3A_16, %dot_general3A_18 : vector<10000x32xf32>
    %get3A_19 = arith.constant 0 : index
    %get3A_20 = arith.constant 0 : index
    %get3A_21 = vector.load %arg4[%get3A_19, %get3A_20] : memref<1x32xf32, #tpu.memory_space<vmem>>, vector<1x32xf32>
    %add3A_22 = vector.broadcast %get3A_21 : vector<1x32xf32> to vector<10000x32xf32>
    %add3A_23 = arith.addf %add3A, %add3A_22 : vector<10000x32xf32>
    %get3A_24 = arith.constant 0 : index
    %get3A_25 = arith.constant 0 : index
    %get3A_26 = vector.load %arg5[%get3A_24, %get3A_25] : memref<128x64xf32, #tpu.memory_space<vmem>>, vector<128x64xf32>
    %dot_general3A_27 = arith.constant dense<0.000000e+00> : vector<10000x64xf32>
    %dot_general3A_28 = tpu.matmul %get3A_1, %get3A_26, %dot_general3A_27 {dimension_numbers = #tpu.dot_dimension_numbers<[1], [0], [0], [1], [0, 0, 1, 1], [], []>, transpose_lhs_hint = false} : vector<10000x128xf32>, vector<128x64xf32>, vector<10000x64xf32> -> vector<10000x64xf32>
    %get3A_29 = arith.constant 0 : index
    %get3A_30 = arith.constant 0 : index
    %get3A_31 = vector.load %arg6[%get3A_29, %get3A_30] : memref<1x64xf32, #tpu.memory_space<vmem>>, vector<1x64xf32>
    %add3A_32 = vector.broadcast %get3A_31 : vector<1x64xf32> to vector<10000x64xf32>
    %add3A_33 = arith.addf %dot_general3A_28, %add3A_32 : vector<10000x64xf32>
    %get3A_34 = arith.constant 0 : index
    %get3A_35 = arith.constant 0 : index
    %get3A_36 = vector.load %arg2[%get3A_34, %get3A_35] : memref<10000x1xi32, #tpu.memory_space<vmem>>, vector<10000x1xi32>
    %convert_element_type3A_37 = arith.sitofp %get3A_36 : vector<10000x1xi32> to vector<10000x1xf32>
    %broadcast_in_dim3A = arith.constant 0.000000e+00 : f32
    %broadcast_in_dim3A_38 = vector.broadcast %broadcast_in_dim3A : f32 to vector<10000x31xf32>
    %concatenate3A = tpu.concatenate %add3A_23, %add3A_33, %convert_element_type3A_37, %broadcast_in_dim3A_38 in 1 : vector<10000x32xf32>, vector<10000x64xf32>, vector<10000x1xf32>, vector<10000x31xf32> -> vector<10000x128xf32>
    %swap3A = arith.constant 0 : index
    %swap3A_39 = arith.constant 0 : index
    %swap3A_40 = vector.load %arg7[%swap3A, %swap3A_39] : memref<10000x128xf32, #tpu.memory_space<vmem>>, vector<10000x128xf32>
    tpu.vector_store %arg7[%swap3A, %swap3A_39], %concatenate3A {strides = array<i32>} : memref<10000x128xf32, #tpu.memory_space<vmem>>, vector<10000x128xf32>,
    %slice3A_41 = vector.extract_strided_slice %get3A_4 {offsets = [128, 0], sizes = [128, 32], strides = [1, 1]} : vector<304x32xf32> to vector<128x32xf32>
    %dot_general3A_42 = arith.constant dense<0.000000e+00> : vector<10000x32xf32>
    %dot_general3A_43 = tpu.matmul %get3A_1, %slice3A_41, %dot_general3A_42 {dimension_numbers = #tpu.dot_dimension_numbers<[1], [0], [0], [1], [0, 0, 1, 1], [], []>, transpose_lhs_hint = false} : vector<10000x128xf32>, vector<128x32xf32>, vector<10000x32xf32> -> vector<10000x32xf32>
    %swap3A_44 = arith.constant 0 : index
    %swap3A_45 = arith.constant 0 : index
    %swap3A_46 = vector.load %arg8[%swap3A_44, %swap3A_45] : memref<10000x32xf32, #tpu.memory_space<vmem>>, vector<10000x32xf32>
    tpu.vector_store %arg8[%swap3A_44, %swap3A_45], %dot_general3A_43 {strides = array<i32>} : memref<10000x32xf32, #tpu.memory_space<vmem>>, vector<10000x32xf32>,
    return
  }
}

module attributes {stable_mosaic.version = 14 : i64} {
  func.func @_edge_body(%arg0: i32, %arg1: memref<6400x128xf32, #tpu.memory_space<vmem>>, %arg2: memref<6400x32xf32, #tpu.memory_space<vmem>>, %arg3: memref<16x6400xf32, #tpu.memory_space<vmem>>, %arg4: memref<16x32xf32, #tpu.memory_space<vmem>>, %arg5: memref<32x32xf32, #tpu.memory_space<vmem>>, %arg6: memref<1x32xf32, #tpu.memory_space<vmem>>, %arg7: memref<32x16xf32, #tpu.memory_space<vmem>>, %arg8: memref<1x16xf32, #tpu.memory_space<vmem>>, %arg9: memref<16x1xf32, #tpu.memory_space<vmem>>, %arg10: memref<16x64xf32, #tpu.memory_space<vmem>>, %arg11: memref<64x80xf32, #tpu.memory_space<vmem>>, %arg12: memref<1x80xf32, #tpu.memory_space<vmem>>, %arg13: memref<16x6400xf32, #tpu.memory_space<vmem>>, %arg14: memref<6400x80xf32, #tpu.memory_space<vmem>>, %arg15: memref<16x32xf32, #tpu.memory_space<vmem>>) attributes {dimension_semantics = [#tpu.dimension_semantics<arbitrary>], iteration_bounds = array<i64: 50>, scalar_prefetch = 0 : i64, scratch_operands = 0 : i64, tpu.core_type = #tpu.core_type<tc>, window_params = [{transform_indices = @transform_0, window_bounds = array<i64: 6400, 128>}, {transform_indices = @transform_1, window_bounds = array<i64: 6400, 32>}, {transform_indices = @transform_2, window_bounds = array<i64: 16, 6400>}, {pipeline_mode = #tpu.pipeline_mode<synchronous>, transform_indices = @transform_3, window_bounds = array<i64: 16, 32>}, {pipeline_mode = #tpu.pipeline_mode<synchronous>, transform_indices = @transform_4, window_bounds = array<i64: 32, 32>}, {pipeline_mode = #tpu.pipeline_mode<synchronous>, transform_indices = @transform_5, window_bounds = array<i64: 1, 32>}, {pipeline_mode = #tpu.pipeline_mode<synchronous>, transform_indices = @transform_6, window_bounds = array<i64: 32, 16>}, {pipeline_mode = #tpu.pipeline_mode<synchronous>, transform_indices = @transform_7, window_bounds = array<i64: 1, 16>}, {pipeline_mode = #tpu.pipeline_mode<synchronous>, transform_indices = @transform_8, window_bounds = array<i64: 16, 1>}, {pipeline_mode = #tpu.pipeline_mode<synchronous>, transform_indices = @transform_9, window_bounds = array<i64: 16, 64>}, {pipeline_mode = #tpu.pipeline_mode<synchronous>, transform_indices = @transform_10, window_bounds = array<i64: 64, 80>}, {pipeline_mode = #tpu.pipeline_mode<synchronous>, transform_indices = @transform_11, window_bounds = array<i64: 1, 80>}, {transform_indices = @transform_12, window_bounds = array<i64: 16, 6400>}, {transform_indices = @transform_13, window_bounds = array<i64: 6400, 80>}, {pipeline_mode = #tpu.pipeline_mode<synchronous>, transform_indices = @transform_14, window_bounds = array<i64: 16, 32>}]} {
    %get3A = arith.constant 0 : index
    %get3A_0 = arith.constant 0 : index
    %get3A_1 = vector.load %arg1[%get3A, %get3A_0] : memref<6400x128xf32, #tpu.memory_space<vmem>>, vector<6400x128xf32>
    %get3A_2 = arith.constant 0 : index
    %get3A_3 = arith.constant 0 : index
    %get3A_4 = vector.load %arg3[%get3A_2, %get3A_3] : memref<16x6400xf32, #tpu.memory_space<vmem>>, vector<16x6400xf32>
    %convert_element_type3A = arith.truncf %get3A_4 : vector<16x6400xf32> to vector<16x6400xbf16>
    %slice3A = vector.extract_strided_slice %get3A_1 {offsets = [0, 0], sizes = [6400, 32], strides = [1, 1]} : vector<6400x128xf32> to vector<6400x32xf32>
    %get3A_5 = arith.constant 0 : index
    %get3A_6 = arith.constant 0 : index
    %get3A_7 = vector.load %arg2[%get3A_5, %get3A_6] : memref<6400x32xf32, #tpu.memory_space<vmem>>, vector<6400x32xf32>
    %add3A = arith.addf %slice3A, %get3A_7 : vector<6400x32xf32>
    %get3A_8 = arith.constant 0 : index
    %get3A_9 = arith.constant 0 : index
    %get3A_10 = vector.load %arg4[%get3A_8, %get3A_9] : memref<16x32xf32, #tpu.memory_space<vmem>>, vector<16x32xf32>
    %convert_element_type3A_11 = arith.truncf %get3A_10 : vector<16x32xf32> to vector<16x32xbf16>
    %dot_general3A = arith.constant dense<0.000000e+00> : vector<6400x32xf32>
    %dot_general3A_12 = tpu.matmul %convert_element_type3A, %convert_element_type3A_11, %dot_general3A {dimension_numbers = #tpu.dot_dimension_numbers<[0], [0], [1], [1], [0, 1, 1, 1], [], []>, transpose_lhs_hint = false} : vector<16x6400xbf16>, vector<16x32xbf16>, vector<6400x32xf32> -> vector<6400x32xf32>
    %add3A_13 = arith.addf %add3A, %dot_general3A_12 : vector<6400x32xf32>
    %max3A = arith.constant 0.000000e+00 : f32
    %max3A_14 = vector.broadcast %max3A : f32 to vector<6400x32xf32>
    %max3A_15 = arith.maximumf %add3A_13, %max3A_14 : vector<6400x32xf32>
    %convert_element_type3A_16 = arith.truncf %max3A_15 : vector<6400x32xf32> to vector<6400x32xbf16>
    %get3A_17 = arith.constant 0 : index
    %get3A_18 = arith.constant 0 : index
    %get3A_19 = vector.load %arg5[%get3A_17, %get3A_18] : memref<32x32xf32, #tpu.memory_space<vmem>>, vector<32x32xf32>
    %convert_element_type3A_20 = arith.truncf %get3A_19 : vector<32x32xf32> to vector<32x32xbf16>
    %dot_general3A_21 = arith.constant dense<0.000000e+00> : vector<6400x32xf32>
    %dot_general3A_22 = tpu.matmul %convert_element_type3A_16, %convert_element_type3A_20, %dot_general3A_21 {dimension_numbers = #tpu.dot_dimension_numbers<[1], [0], [0], [1], [0, 0, 1, 1], [], []>, transpose_lhs_hint = false} : vector<6400x32xbf16>, vector<32x32xbf16>, vector<6400x32xf32> -> vector<6400x32xf32>
    %get3A_23 = arith.constant 0 : index
    %get3A_24 = arith.constant 0 : index
    %get3A_25 = vector.load %arg6[%get3A_23, %get3A_24] : memref<1x32xf32, #tpu.memory_space<vmem>>, vector<1x32xf32>
    %add3A_26 = vector.broadcast %get3A_25 : vector<1x32xf32> to vector<6400x32xf32>
    %add3A_27 = arith.addf %dot_general3A_22, %add3A_26 : vector<6400x32xf32>
    %max3A_28 = arith.constant 0.000000e+00 : f32
    %max3A_29 = vector.broadcast %max3A_28 : f32 to vector<6400x32xf32>
    %max3A_30 = arith.maximumf %add3A_27, %max3A_29 : vector<6400x32xf32>
    %convert_element_type3A_31 = arith.truncf %max3A_30 : vector<6400x32xf32> to vector<6400x32xbf16>
    %get3A_32 = arith.constant 0 : index
    %get3A_33 = arith.constant 0 : index
    %get3A_34 = vector.load %arg7[%get3A_32, %get3A_33] : memref<32x16xf32, #tpu.memory_space<vmem>>, vector<32x16xf32>
    %convert_element_type3A_35 = arith.truncf %get3A_34 : vector<32x16xf32> to vector<32x16xbf16>
    %dot_general3A_36 = arith.constant dense<0.000000e+00> : vector<6400x16xf32>
    %dot_general3A_37 = tpu.matmul %convert_element_type3A_31, %convert_element_type3A_35, %dot_general3A_36 {dimension_numbers = #tpu.dot_dimension_numbers<[1], [0], [0], [1], [0, 0, 1, 1], [], []>, transpose_lhs_hint = false} : vector<6400x32xbf16>, vector<32x16xbf16>, vector<6400x16xf32> -> vector<6400x16xf32>
    %get3A_38 = arith.constant 0 : index
    %get3A_39 = arith.constant 0 : index
    %get3A_40 = vector.load %arg8[%get3A_38, %get3A_39] : memref<1x16xf32, #tpu.memory_space<vmem>>, vector<1x16xf32>
    %add3A_41 = vector.broadcast %get3A_40 : vector<1x16xf32> to vector<6400x16xf32>
    %add3A_42 = arith.addf %dot_general3A_37, %add3A_41 : vector<6400x16xf32>
    %dot_general3A_43 = arith.constant dense<0.000000e+00> : vector<16x6400xf32>
    %dot_general3A_44 = tpu.matmul %convert_element_type3A_35, %convert_element_type3A_31, %dot_general3A_43 {dimension_numbers = #tpu.dot_dimension_numbers<[0], [1], [1], [0], [0, 1, 1, 0], [], []>, transpose_lhs_hint = false} : vector<32x16xbf16>, vector<6400x32xbf16>, vector<16x6400xf32> -> vector<16x6400xf32>
    %get3A_45 = arith.constant 0 : index
    %get3A_46 = arith.constant 0 : index
    %get3A_47 = vector.load %arg9[%get3A_45, %get3A_46] : memref<16x1xf32, #tpu.memory_space<vmem>>, vector<16x1xf32>
    %add3A_48 = vector.broadcast %get3A_47 : vector<16x1xf32> to vector<16x6400xf32>
    %add3A_49 = arith.addf %dot_general3A_44, %add3A_48 : vector<16x6400xf32>
    %get3A_50 = arith.constant 0 : index
    %get3A_51 = arith.constant 0 : index
    %get3A_52 = vector.load %arg3[%get3A_50, %get3A_51] : memref<16x6400xf32, #tpu.memory_space<vmem>>, vector<16x6400xf32>
    %add3A_53 = arith.addf %add3A_49, %get3A_52 : vector<16x6400xf32>
    %swap3A = arith.constant 0 : index
    %swap3A_54 = arith.constant 0 : index
    %swap3A_55 = vector.load %arg13[%swap3A, %swap3A_54] : memref<16x6400xf32, #tpu.memory_space<vmem>>, vector<16x6400xf32>
    tpu.vector_store %arg13[%swap3A, %swap3A_54], %add3A_53 {strides = array<i32>} : memref<16x6400xf32, #tpu.memory_space<vmem>>, vector<16x6400xf32>,
    %slice3A_56 = vector.extract_strided_slice %get3A_1 {offsets = [0, 32], sizes = [6400, 64], strides = [1, 1]} : vector<6400x128xf32> to vector<6400x64xf32>
    %convert_element_type3A_57 = arith.truncf %add3A_42 : vector<6400x16xf32> to vector<6400x16xbf16>
    %get3A_58 = arith.constant 0 : index
    %get3A_59 = arith.constant 0 : index
    %get3A_60 = vector.load %arg10[%get3A_58, %get3A_59] : memref<16x64xf32, #tpu.memory_space<vmem>>, vector<16x64xf32>
    %convert_element_type3A_61 = arith.truncf %get3A_60 : vector<16x64xf32> to vector<16x64xbf16>
    %dot_general3A_62 = arith.constant dense<0.000000e+00> : vector<6400x64xf32>
    %dot_general3A_63 = tpu.matmul %convert_element_type3A_57, %convert_element_type3A_61, %dot_general3A_62 {dimension_numbers = #tpu.dot_dimension_numbers<[1], [0], [0], [1], [0, 0, 1, 1], [], []>, transpose_lhs_hint = false} : vector<6400x16xbf16>, vector<16x64xbf16>, vector<6400x64xf32> -> vector<6400x64xf32>
    %add3A_64 = arith.addf %slice3A_56, %dot_general3A_63 : vector<6400x64xf32>
    %max3A_65 = arith.constant 0.000000e+00 : f32
    %max3A_66 = vector.broadcast %max3A_65 : f32 to vector<6400x64xf32>
    %max3A_67 = arith.maximumf %add3A_64, %max3A_66 : vector<6400x64xf32>
    %convert_element_type3A_68 = arith.truncf %max3A_67 : vector<6400x64xf32> to vector<6400x64xbf16>
    %get3A_69 = arith.constant 0 : index
    %get3A_70 = arith.constant 0 : index
    %get3A_71 = vector.load %arg11[%get3A_69, %get3A_70] : memref<64x80xf32, #tpu.memory_space<vmem>>, vector<64x80xf32>
    %convert_element_type3A_72 = arith.truncf %get3A_71 : vector<64x80xf32> to vector<64x80xbf16>
    %dot_general3A_73 = arith.constant dense<0.000000e+00> : vector<6400x80xf32>
    %dot_general3A_74 = tpu.matmul %convert_element_type3A_68, %convert_element_type3A_72, %dot_general3A_73 {dimension_numbers = #tpu.dot_dimension_numbers<[1], [0], [0], [1], [0, 0, 1, 1], [], []>, transpose_lhs_hint = false} : vector<6400x64xbf16>, vector<64x80xbf16>, vector<6400x80xf32> -> vector<6400x80xf32>
    %get3A_75 = arith.constant 0 : index
    %get3A_76 = arith.constant 0 : index
    %get3A_77 = vector.load %arg12[%get3A_75, %get3A_76] : memref<1x80xf32, #tpu.memory_space<vmem>>, vector<1x80xf32>
    %add3A_78 = vector.broadcast %get3A_77 : vector<1x80xf32> to vector<6400x80xf32>
    %add3A_79 = arith.addf %dot_general3A_74, %add3A_78 : vector<6400x80xf32>
    %swap3A_80 = arith.constant 0 : index
    %swap3A_81 = arith.constant 0 : index
    %swap3A_82 = vector.load %arg14[%swap3A_80, %swap3A_81] : memref<6400x80xf32, #tpu.memory_space<vmem>>, vector<6400x80xf32>
    tpu.vector_store %arg14[%swap3A_80, %swap3A_81], %add3A_79 {strides = array<i32>} : memref<6400x80xf32, #tpu.memory_space<vmem>>, vector<6400x80xf32>,
    %slice3A_83 = vector.extract_strided_slice %get3A_1 {offsets = [0, 96], sizes = [6400, 1], strides = [1, 1]} : vector<6400x128xf32> to vector<6400x1xf32>
    %convert_element_type3A_84 = arith.fptosi %slice3A_83 : vector<6400x1xf32> to vector<6400x1xi32>
    %iota3A = tpu.iota {dimensions = array<i32: 1>} : vector<6400x16xi32>
    %eq3A = vector.broadcast %convert_element_type3A_84 : vector<6400x1xi32> to vector<6400x16xi32>
    %eq3A_85 = arith.cmpi eq, %eq3A, %iota3A : vector<6400x16xi32>
    %convert_element_type3A_86 = arith.extui %eq3A_85 : vector<6400x16xi1> to vector<6400x16xi32>
    %convert_element_type3A_87 = arith.sitofp %convert_element_type3A_86 : vector<6400x16xi32> to vector<6400x16xf32>
    %broadcast_in_dim3A = arith.constant 1.000000e+00 : f32
    %broadcast_in_dim3A_88 = vector.broadcast %broadcast_in_dim3A : f32 to vector<6400x1xf32>
    %broadcast_in_dim3A_89 = arith.constant 0.000000e+00 : f32
    %broadcast_in_dim3A_90 = vector.broadcast %broadcast_in_dim3A_89 : f32 to vector<6400x15xf32>
    %concatenate3A = tpu.concatenate %add3A_42, %broadcast_in_dim3A_88, %broadcast_in_dim3A_90 in 1 : vector<6400x16xf32>, vector<6400x1xf32>, vector<6400x15xf32> -> vector<6400x32xf32>
    %dot_general3A_91 = arith.constant dense<0.000000e+00> : vector<16x32xf32>
    %dot_general3A_92 = tpu.matmul %convert_element_type3A_87, %concatenate3A, %dot_general3A_91 {dimension_numbers = #tpu.dot_dimension_numbers<[0], [0], [1], [1], [0, 1, 1, 1], [], []>, transpose_lhs_hint = false} : vector<6400x16xf32>, vector<6400x32xf32>, vector<16x32xf32> -> vector<16x32xf32>
    %eq3A_93 = arith.constant 0 : i32
    %eq3A_94 = arith.cmpi eq, %arg0, %eq3A_93 : i32
    %convert_element_type3A_95 = arith.extui %eq3A_94 : i1 to i32
    %cond3A = arith.constant 0 : i32
    %cond3A_96 = arith.cmpi ne, %convert_element_type3A_95, %cond3A : i32
    scf.if %cond3A_96 {
      %swap3A_101 = arith.constant 0 : index
      %swap3A_102 = arith.constant 0 : index
      %swap3A_103 = vector.load %arg15[%swap3A_101, %swap3A_102] : memref<16x32xf32, #tpu.memory_space<vmem>>, vector<16x32xf32>
      tpu.vector_store %arg15[%swap3A_101, %swap3A_102], %dot_general3A_92 {strides = array<i32>} : memref<16x32xf32, #tpu.memory_space<vmem>>, vector<16x32xf32>,
    } else {
    }
    %gt3A = arith.constant 0 : i32
    %gt3A_97 = arith.cmpi sgt, %arg0, %gt3A : i32
    %convert_element_type3A_98 = arith.extui %gt3A_97 : i1 to i32
    %cond3A_99 = arith.constant 0 : i32
    %cond3A_100 = arith.cmpi ne, %convert_element_type3A_98, %cond3A_99 : i32
    scf.if %cond3A_100 {
      %get3A_101 = arith.constant 0 : index
      %get3A_102 = arith.constant 0 : index
      %get3A_103 = vector.load %arg15[%get3A_101, %get3A_102] : memref<16x32xf32, #tpu.memory_space<vmem>>, vector<16x32xf32>
      %add3A_104 = arith.addf %get3A_103, %dot_general3A_92 : vector<16x32xf32>
      %swap3A_105 = arith.constant 0 : index
      %swap3A_106 = arith.constant 0 : index
      %swap3A_107 = vector.load %arg15[%swap3A_105, %swap3A_106] : memref<16x32xf32, #tpu.memory_space<vmem>>, vector<16x32xf32>
      tpu.vector_store %arg15[%swap3A_105, %swap3A_106], %add3A_104 {strides = array<i32>} : memref<16x32xf32, #tpu.memory_space<vmem>>, vector<16x32xf32>,
    } else {
    }
    return
  }
  func.func @transform_0(%arg0: i32) -> (i32, i32) {
    %c0_i32 = arith.constant 0 : i32
    %c0_i32_0 = arith.constant 0 : i32
    return %arg0, %c0_i32 : i32, i32
  }
  func.func @transform_1(%arg0: i32) -> (i32, i32) {
    %c0_i32 = arith.constant 0 : i32
    %c0_i32_0 = arith.constant 0 : i32
    return %arg0, %c0_i32 : i32, i32
  }
  func.func @transform_2(%arg0: i32) -> (i32, i32) {
    %c0_i32 = arith.constant 0 : i32
    %c0_i32_0 = arith.constant 0 : i32
    return %c0_i32, %arg0 : i32, i32
  }
  func.func @transform_3(%arg0: i32) -> (i32, i32) {
    %c0_i32 = arith.constant 0 : i32
    %c0_i32_0 = arith.constant 0 : i32
    %c0_i32_1 = arith.constant 0 : i32
    return %c0_i32, %c0_i32_0 : i32, i32
  }
  func.func @transform_4(%arg0: i32) -> (i32, i32) {
    %c0_i32 = arith.constant 0 : i32
    %c0_i32_0 = arith.constant 0 : i32
    %c0_i32_1 = arith.constant 0 : i32
    return %c0_i32, %c0_i32_0 : i32, i32
  }
  func.func @transform_5(%arg0: i32) -> (i32, i32) {
    %c0_i32 = arith.constant 0 : i32
    %c0_i32_0 = arith.constant 0 : i32
    %c0_i32_1 = arith.constant 0 : i32
    return %c0_i32, %c0_i32_0 : i32, i32
  }
  func.func @transform_6(%arg0: i32) -> (i32, i32) {
    %c0_i32 = arith.constant 0 : i32
    %c0_i32_0 = arith.constant 0 : i32
    %c0_i32_1 = arith.constant 0 : i32
    return %c0_i32, %c0_i32_0 : i32, i32
  }
  func.func @transform_7(%arg0: i32) -> (i32, i32) {
    %c0_i32 = arith.constant 0 : i32
    %c0_i32_0 = arith.constant 0 : i32
    %c0_i32_1 = arith.constant 0 : i32
    return %c0_i32, %c0_i32_0 : i32, i32
  }
  func.func @transform_8(%arg0: i32) -> (i32, i32) {
    %c0_i32 = arith.constant 0 : i32
    %c0_i32_0 = arith.constant 0 : i32
    %c0_i32_1 = arith.constant 0 : i32
    return %c0_i32, %c0_i32_0 : i32, i32
  }
  func.func @transform_9(%arg0: i32) -> (i32, i32) {
    %c0_i32 = arith.constant 0 : i32
    %c0_i32_0 = arith.constant 0 : i32
    %c0_i32_1 = arith.constant 0 : i32
    return %c0_i32, %c0_i32_0 : i32, i32
  }
  func.func @transform_10(%arg0: i32) -> (i32, i32) {
    %c0_i32 = arith.constant 0 : i32
    %c0_i32_0 = arith.constant 0 : i32
    %c0_i32_1 = arith.constant 0 : i32
    return %c0_i32, %c0_i32_0 : i32, i32
  }
  func.func @transform_11(%arg0: i32) -> (i32, i32) {
    %c0_i32 = arith.constant 0 : i32
    %c0_i32_0 = arith.constant 0 : i32
    %c0_i32_1 = arith.constant 0 : i32
    return %c0_i32, %c0_i32_0 : i32, i32
  }
  func.func @transform_12(%arg0: i32) -> (i32, i32) {
    %c0_i32 = arith.constant 0 : i32
    %c0_i32_0 = arith.constant 0 : i32
    return %c0_i32, %arg0 : i32, i32
  }
  func.func @transform_13(%arg0: i32) -> (i32, i32) {
    %c0_i32 = arith.constant 0 : i32
    %c0_i32_0 = arith.constant 0 : i32
    return %arg0, %c0_i32 : i32, i32
  }
  func.func @transform_14(%arg0: i32) -> (i32, i32) {
    %c0_i32 = arith.constant 0 : i32
    %c0_i32_0 = arith.constant 0 : i32
    %c0_i32_1 = arith.constant 0 : i32
    return %c0_i32, %c0_i32_0 : i32, i32
  }
}

module attributes {stable_mosaic.version = 14 : i64} {
  func.func @_node_body(%arg0: memref<10000x128xf32, #tpu.memory_space<vmem>>, %arg1: memref<20480x80xf32, #tpu.memory_space<vmem>>, %arg2: memref<16x32xf32, #tpu.memory_space<vmem>>, %arg3: memref<10000x1xi32, #tpu.memory_space<vmem>>, %arg4: memref<16x32xf32, #tpu.memory_space<vmem>>, %arg5: memref<224x64xf32, #tpu.memory_space<vmem>>, %arg6: memref<1x64xf32, #tpu.memory_space<vmem>>, %arg7: memref<64x128xf32, #tpu.memory_space<vmem>>, %arg8: memref<1x128xf32, #tpu.memory_space<vmem>>, %arg9: memref<176x32xf32, #tpu.memory_space<vmem>>, %arg10: memref<1x32xf32, #tpu.memory_space<vmem>>, %arg11: memref<32x32xf32, #tpu.memory_space<vmem>>, %arg12: memref<1x32xf32, #tpu.memory_space<vmem>>, %arg13: memref<10000x128xf32, #tpu.memory_space<vmem>>, %arg14: memref<16x32xf32, #tpu.memory_space<vmem>>) attributes {dimension_semantics = [], scalar_prefetch = 0 : i64, scratch_operands = 0 : i64, tpu.core_type = #tpu.core_type<tc>} {
    %get3A = arith.constant 0 : index
    %get3A_0 = arith.constant 0 : index
    %get3A_1 = vector.load %arg0[%get3A, %get3A_0] : memref<10000x128xf32, #tpu.memory_space<vmem>>, vector<10000x128xf32>
    %get3A_2 = arith.constant 0 : index
    %get3A_3 = arith.constant 0 : index
    %get3A_4 = vector.load %arg2[%get3A_2, %get3A_3] : memref<16x32xf32, #tpu.memory_space<vmem>>, vector<16x32xf32>
    %get3A_5 = arith.constant 0 : index
    %get3A_6 = arith.constant 0 : index
    %get3A_7 = vector.load %arg1[%get3A_5, %get3A_6] : memref<20480x80xf32, #tpu.memory_space<vmem>>, vector<10000x80xf32>
    %get3A_8 = arith.constant 10240 : index
    %get3A_9 = arith.constant 0 : index
    %get3A_10 = vector.load %arg1[%get3A_8, %get3A_9] : memref<20480x80xf32, #tpu.memory_space<vmem>>, vector<10000x80xf32>
    %add3A = arith.addf %get3A_7, %get3A_10 : vector<10000x80xf32>
    %slice3A = vector.extract_strided_slice %add3A {offsets = [0, 0], sizes = [10000, 64], strides = [1, 1]} : vector<10000x80xf32> to vector<10000x64xf32>
    %slice3A_11 = vector.extract_strided_slice %add3A {offsets = [0, 64], sizes = [10000, 1], strides = [1, 1]} : vector<10000x80xf32> to vector<10000x1xf32>
    %max3A = arith.constant 1.000000e+00 : f32
    %max3A_12 = vector.broadcast %max3A : f32 to vector<10000x1xf32>
    %max3A_13 = arith.maximumf %slice3A_11, %max3A_12 : vector<10000x1xf32>
    %div3A = vector.broadcast %max3A_13 : vector<10000x1xf32> to vector<10000x64xf32>
    %div3A_14 = arith.divf %slice3A, %div3A : vector<10000x64xf32>
    %get3A_15 = arith.constant 0 : index
    %get3A_16 = arith.constant 0 : index
    %get3A_17 = vector.load %arg3[%get3A_15, %get3A_16] : memref<10000x1xi32, #tpu.memory_space<vmem>>, vector<10000x1xi32>
    %iota3A = tpu.iota {dimensions = array<i32: 1>} : vector<10000x16xi32>
    %eq3A = vector.broadcast %get3A_17 : vector<10000x1xi32> to vector<10000x16xi32>
    %eq3A_18 = arith.cmpi eq, %eq3A, %iota3A : vector<10000x16xi32>
    %convert_element_type3A = arith.extui %eq3A_18 : vector<10000x16xi1> to vector<10000x16xi32>
    %convert_element_type3A_19 = arith.sitofp %convert_element_type3A : vector<10000x16xi32> to vector<10000x16xf32>
    %get3A_20 = arith.constant 0 : index
    %get3A_21 = arith.constant 0 : index
    %get3A_22 = vector.load %arg5[%get3A_20, %get3A_21] : memref<224x64xf32, #tpu.memory_space<vmem>>, vector<224x64xf32>
    %slice3A_23 = vector.extract_strided_slice %get3A_22 {offsets = [192, 0], sizes = [32, 64], strides = [1, 1]} : vector<224x64xf32> to vector<32x64xf32>
    %dot_general3A = arith.constant dense<0.000000e+00> : vector<16x64xf32>
    %dot_general3A_24 = tpu.matmul %get3A_4, %slice3A_23, %dot_general3A {dimension_numbers = #tpu.dot_dimension_numbers<[1], [0], [0], [1], [0, 0, 1, 1], [], []>, transpose_lhs_hint = false} : vector<16x32xf32>, vector<32x64xf32>, vector<16x64xf32> -> vector<16x64xf32>
    %slice3A_25 = vector.extract_strided_slice %get3A_22 {offsets = [0, 0], sizes = [128, 64], strides = [1, 1]} : vector<224x64xf32> to vector<128x64xf32>
    %dot_general3A_26 = arith.constant dense<0.000000e+00> : vector<10000x64xf32>
    %dot_general3A_27 = tpu.matmul %get3A_1, %slice3A_25, %dot_general3A_26 {dimension_numbers = #tpu.dot_dimension_numbers<[1], [0], [0], [1], [0, 0, 1, 1], [], []>, transpose_lhs_hint = false} : vector<10000x128xf32>, vector<128x64xf32>, vector<10000x64xf32> -> vector<10000x64xf32>
    %slice3A_28 = vector.extract_strided_slice %get3A_22 {offsets = [128, 0], sizes = [64, 64], strides = [1, 1]} : vector<224x64xf32> to vector<64x64xf32>
    %dot_general3A_29 = arith.constant dense<0.000000e+00> : vector<10000x64xf32>
    %dot_general3A_30 = tpu.matmul %div3A_14, %slice3A_28, %dot_general3A_29 {dimension_numbers = #tpu.dot_dimension_numbers<[1], [0], [0], [1], [0, 0, 1, 1], [], []>, transpose_lhs_hint = false} : vector<10000x64xf32>, vector<64x64xf32>, vector<10000x64xf32> -> vector<10000x64xf32>
    %add3A_31 = arith.addf %dot_general3A_27, %dot_general3A_30 : vector<10000x64xf32>
    %dot_general3A_32 = arith.constant dense<0.000000e+00> : vector<10000x64xf32>
    %dot_general3A_33 = tpu.matmul %convert_element_type3A_19, %dot_general3A_24, %dot_general3A_32 {dimension_numbers = #tpu.dot_dimension_numbers<[1], [0], [0], [1], [0, 0, 1, 1], [], []>, transpose_lhs_hint = false} : vector<10000x16xf32>, vector<16x64xf32>, vector<10000x64xf32> -> vector<10000x64xf32>
    %add3A_34 = arith.addf %add3A_31, %dot_general3A_33 : vector<10000x64xf32>
    %get3A_35 = arith.constant 0 : index
    %get3A_36 = arith.constant 0 : index
    %get3A_37 = vector.load %arg6[%get3A_35, %get3A_36] : memref<1x64xf32, #tpu.memory_space<vmem>>, vector<1x64xf32>
    %add3A_38 = vector.broadcast %get3A_37 : vector<1x64xf32> to vector<10000x64xf32>
    %add3A_39 = arith.addf %add3A_34, %add3A_38 : vector<10000x64xf32>
    %max3A_40 = arith.constant 0.000000e+00 : f32
    %max3A_41 = vector.broadcast %max3A_40 : f32 to vector<10000x64xf32>
    %max3A_42 = arith.maximumf %add3A_39, %max3A_41 : vector<10000x64xf32>
    %get3A_43 = arith.constant 0 : index
    %get3A_44 = arith.constant 0 : index
    %get3A_45 = vector.load %arg7[%get3A_43, %get3A_44] : memref<64x128xf32, #tpu.memory_space<vmem>>, vector<64x128xf32>
    %dot_general3A_46 = arith.constant dense<0.000000e+00> : vector<10000x128xf32>
    %dot_general3A_47 = tpu.matmul %max3A_42, %get3A_45, %dot_general3A_46 {dimension_numbers = #tpu.dot_dimension_numbers<[1], [0], [0], [1], [0, 0, 1, 1], [], []>, transpose_lhs_hint = false} : vector<10000x64xf32>, vector<64x128xf32>, vector<10000x128xf32> -> vector<10000x128xf32>
    %get3A_48 = arith.constant 0 : index
    %get3A_49 = arith.constant 0 : index
    %get3A_50 = vector.load %arg8[%get3A_48, %get3A_49] : memref<1x128xf32, #tpu.memory_space<vmem>>, vector<1x128xf32>
    %add3A_51 = vector.broadcast %get3A_50 : vector<1x128xf32> to vector<10000x128xf32>
    %add3A_52 = arith.addf %dot_general3A_47, %add3A_51 : vector<10000x128xf32>
    %add3A_53 = arith.addf %add3A_52, %get3A_1 : vector<10000x128xf32>
    %swap3A = arith.constant 0 : index
    %swap3A_54 = arith.constant 0 : index
    %swap3A_55 = vector.load %arg13[%swap3A, %swap3A_54] : memref<10000x128xf32, #tpu.memory_space<vmem>>, vector<10000x128xf32>
    tpu.vector_store %arg13[%swap3A, %swap3A_54], %add3A_53 {strides = array<i32>} : memref<10000x128xf32, #tpu.memory_space<vmem>>, vector<10000x128xf32>,
    %broadcast_in_dim3A = arith.constant 1.000000e+00 : f32
    %broadcast_in_dim3A_56 = vector.broadcast %broadcast_in_dim3A : f32 to vector<10000x1xf32>
    %broadcast_in_dim3A_57 = arith.constant 0.000000e+00 : f32
    %broadcast_in_dim3A_58 = vector.broadcast %broadcast_in_dim3A_57 : f32 to vector<10000x15xf32>
    %concatenate3A = tpu.concatenate %add3A_52, %broadcast_in_dim3A_56, %broadcast_in_dim3A_58 in 1 : vector<10000x128xf32>, vector<10000x1xf32>, vector<10000x15xf32> -> vector<10000x144xf32>
    %dot_general3A_59 = arith.constant dense<0.000000e+00> : vector<16x144xf32>
    %dot_general3A_60 = tpu.matmul %convert_element_type3A_19, %concatenate3A, %dot_general3A_59 {dimension_numbers = #tpu.dot_dimension_numbers<[0], [0], [1], [1], [0, 1, 1, 1], [], []>, transpose_lhs_hint = false} : vector<10000x16xf32>, vector<10000x144xf32>, vector<16x144xf32> -> vector<16x144xf32>
    %slice3A_61 = vector.extract_strided_slice %dot_general3A_60 {offsets = [0, 0], sizes = [16, 128], strides = [1, 1]} : vector<16x144xf32> to vector<16x128xf32>
    %slice3A_62 = vector.extract_strided_slice %dot_general3A_60 {offsets = [0, 128], sizes = [16, 1], strides = [1, 1]} : vector<16x144xf32> to vector<16x1xf32>
    %max3A_63 = arith.constant 1.000000e+00 : f32
    %max3A_64 = vector.broadcast %max3A_63 : f32 to vector<16x1xf32>
    %max3A_65 = arith.maximumf %slice3A_62, %max3A_64 : vector<16x1xf32>
    %div3A_66 = vector.broadcast %max3A_65 : vector<16x1xf32> to vector<16x128xf32>
    %div3A_67 = arith.divf %slice3A_61, %div3A_66 : vector<16x128xf32>
    %get3A_68 = arith.constant 0 : index
    %get3A_69 = arith.constant 0 : index
    %get3A_70 = vector.load %arg4[%get3A_68, %get3A_69] : memref<16x32xf32, #tpu.memory_space<vmem>>, vector<16x32xf32>
    %slice3A_71 = vector.extract_strided_slice %get3A_70 {offsets = [0, 0], sizes = [16, 16], strides = [1, 1]} : vector<16x32xf32> to vector<16x16xf32>
    %slice3A_72 = vector.extract_strided_slice %get3A_70 {offsets = [0, 16], sizes = [16, 1], strides = [1, 1]} : vector<16x32xf32> to vector<16x1xf32>
    %max3A_73 = arith.constant 1.000000e+00 : f32
    %max3A_74 = vector.broadcast %max3A_73 : f32 to vector<16x1xf32>
    %max3A_75 = arith.maximumf %slice3A_72, %max3A_74 : vector<16x1xf32>
    %div3A_76 = vector.broadcast %max3A_75 : vector<16x1xf32> to vector<16x16xf32>
    %div3A_77 = arith.divf %slice3A_71, %div3A_76 : vector<16x16xf32>
    %concatenate3A_78 = tpu.concatenate %get3A_4, %div3A_67, %div3A_77 in 1 : vector<16x32xf32>, vector<16x128xf32>, vector<16x16xf32> -> vector<16x176xf32>
    %get3A_79 = arith.constant 0 : index
    %get3A_80 = arith.constant 0 : index
    %get3A_81 = vector.load %arg9[%get3A_79, %get3A_80] : memref<176x32xf32, #tpu.memory_space<vmem>>, vector<176x32xf32>
    %dot_general3A_82 = arith.constant dense<0.000000e+00> : vector<16x32xf32>
    %dot_general3A_83 = tpu.matmul %concatenate3A_78, %get3A_81, %dot_general3A_82 {dimension_numbers = #tpu.dot_dimension_numbers<[1], [0], [0], [1], [0, 0, 1, 1], [], []>, transpose_lhs_hint = false} : vector<16x176xf32>, vector<176x32xf32>, vector<16x32xf32> -> vector<16x32xf32>
    %get3A_84 = arith.constant 0 : index
    %get3A_85 = arith.constant 0 : index
    %get3A_86 = vector.load %arg10[%get3A_84, %get3A_85] : memref<1x32xf32, #tpu.memory_space<vmem>>, vector<1x32xf32>
    %add3A_87 = vector.broadcast %get3A_86 : vector<1x32xf32> to vector<16x32xf32>
    %add3A_88 = arith.addf %dot_general3A_83, %add3A_87 : vector<16x32xf32>
    %max3A_89 = arith.constant 0.000000e+00 : f32
    %max3A_90 = vector.broadcast %max3A_89 : f32 to vector<16x32xf32>
    %max3A_91 = arith.maximumf %add3A_88, %max3A_90 : vector<16x32xf32>
    %get3A_92 = arith.constant 0 : index
    %get3A_93 = arith.constant 0 : index
    %get3A_94 = vector.load %arg11[%get3A_92, %get3A_93] : memref<32x32xf32, #tpu.memory_space<vmem>>, vector<32x32xf32>
    %dot_general3A_95 = arith.constant dense<0.000000e+00> : vector<16x32xf32>
    %dot_general3A_96 = tpu.matmul %max3A_91, %get3A_94, %dot_general3A_95 {dimension_numbers = #tpu.dot_dimension_numbers<[1], [0], [0], [1], [0, 0, 1, 1], [], []>, transpose_lhs_hint = false} : vector<16x32xf32>, vector<32x32xf32>, vector<16x32xf32> -> vector<16x32xf32>
    %get3A_97 = arith.constant 0 : index
    %get3A_98 = arith.constant 0 : index
    %get3A_99 = vector.load %arg12[%get3A_97, %get3A_98] : memref<1x32xf32, #tpu.memory_space<vmem>>, vector<1x32xf32>
    %add3A_100 = vector.broadcast %get3A_99 : vector<1x32xf32> to vector<16x32xf32>
    %add3A_101 = arith.addf %dot_general3A_96, %add3A_100 : vector<16x32xf32>
    %add3A_102 = arith.addf %add3A_101, %get3A_4 : vector<16x32xf32>
    %swap3A_103 = arith.constant 0 : index
    %swap3A_104 = arith.constant 0 : index
    %swap3A_105 = vector.load %arg14[%swap3A_103, %swap3A_104] : memref<16x32xf32, #tpu.memory_space<vmem>>, vector<16x32xf32>
    tpu.vector_store %arg14[%swap3A_103, %swap3A_104], %add3A_102 {strides = array<i32>} : memref<16x32xf32, #tpu.memory_space<vmem>>, vector<16x32xf32>,
    return
  }
}

</mosaic_0001>

<sc_bundles>
// kernel: kernel.11.cloned.1.call-start
scs
__scs_entry_jumppad:
0x0: {  	(pc) =	sbr.rel $0x88, $3  }
0x1: {  	(tag) =	ssettag $0x0;
	lr =	simm.s32 $0x1  }
0x2: {  	[smem:$0x3F8A] =	sst lr;
	_ =	strace $0xD0000000  }
0x3: {  	_ = 	snop  }
0x4: {  	_ = 	snop  }
0x5: {  	_ = 	snop  }
0x6: {  	_ = 	snop  }
0x7: {  	_ = 	snop  }
__scs_overlays_trampoline_lowered:
0x8: {  	[smem:$0x3F99] =	sst s0  }
0x9: {  	[smem:$0x3F9A] =	sst s1  }
0xa: {  	[smem:$0x3F9B] =	sst s2  }
0xb: {  	[smem:$0x3F9C] =	sst s3  }
0xc: {  	[smem:$0x3F9D] =	sst s4  }
0xd: {  	[smem:$0x3F9E] =	sst s5  }
0xe: {  	[smem:$0x3F9F] =	sst s6  }
0xf: {  	[smem:$0x3FA0] =	sst s7  }
0x10: {  	[smem:$0x3FA1] =	sst s8  }
0x11: {  	[smem:$0x3FA2] =	sst s9;
	s0 =	simm.s32 @!p0 $0x0  }
0x12: {  	s1 =	sld [smem:$0x3F88];
	s0 =	simm.s32 @p0 $0x1  }
0x13: {  	[smem:$0x3FA3] =	sst s0;
	s0 =	simm.s32 @!p1 $0x0  }
0x14: {  	s2 =	sld [smem:$0x3F87];
	s0 =	simm.s32 @p1 $0x1  }
0x15: {  	[smem:$0x3FA4] =	sst s0;
	s0 =	simm.s32 @!p2 $0x0  }
0x16: {  	s3 =	sld [smem:$0x3FDB];
	s0 =	simm.s32 @p2 $0x1  }
0x17: {  	s4 =	simm.s32 $0x1BF5;
	[smem:$0x3FA6] =	sst s0  }
0x18: {  	s0 =	sld [smem:$0x3F89];
	_ =	swait.ge [sflag:s4], $0x0  }
0x19: {  	s7 =	sld [smem:$0x3F8A]  }
0x1a: {  	s8 =	sadd.s32 $0xFFFFE003, lr  }
0x1b: {  	s9 =	sadd.s32 $0xFFFFFEF7, lr;
	s5 =	simm.s32 $0xFFFFFFFF;
	p2 =	slt.u32 s8, $0xFFFFF086  }
0x1c: {  	p1 =	slt.u32 s9, $0xF7A;
	s5 =	simm.s32 @!p2 $0x0  }
0x1d: {  	s5 =	simm.s32 @p1 $0x1;
	p0 =	seq.s32 s7, s2  }
0x1e: {  	s7 =	smul.u32 @!p0 $0xF7A, s2;
	p2 =	seq.s32 @!p0 s5, $0x0  }
0x1f: {  	s9 =	smul.u32 $0xF7A, s1;
	s8 =	simm.s32 @!p0 $0x1BF5;
	p2 =	por !p2, p0  }
0x20: {  	[sflag:s8] =	ssyncset.s32 @!p0 $0xFFFFF086;
	s6 =	sadd.s32 @!p0 s3, s7;
	s7 =	simm.s32 @!p0 $0x108  }
0x21: {  	s3 =	sadd.s32 s3, s9;
	s6 =	sadd.s32 @!p0 $0x88, s6;
	s7 =	simm.s32 @p2 $0x1082  }
0x22: {  	[simem:s7], [sflag:s8] =	dma.local @!p0 [hbm:s6], $0xF7A  }
0x23: {  	s9 =	sor.u32 $0xD0000000, s2;
	s6 =	simm.s32 $0x108;
	_ =	swait.ge @!p0 [sflag:s8], $0x0  }
0x24: {  	s3 =	sadd.s32 $0x88, s3;
	s6 =	simm.s32 @!p1 $0x1082;
	[sflag:s4] =	ssyncset.s32 $0xFFFFF086  }
0x25: {  	[simem:s6], [sflag:s4] =	dma.local [hbm:s3], $0xF7A  }
0x26: {  	[smem:$0x3F8A] =	sst s1;
	(tag) =	ssettag s2;
	_ =	strace s9  }
0x27: {  	s1 =	sld [smem:$0x3F9A]  }
0x28: {  	s2 =	sld [smem:$0x3F9B]  }
0x29: {  	s4 =	sld [smem:$0x3F9D]  }
0x2a: {  	p0 =	seq.s32 s5, $0x0;
	s5 =	sld [smem:$0x3F9E]  }
0x2b: {  	s6 =	sld [smem:$0x3F9F]  }
0x2c: {  	s7 =	sld [smem:$0x3FA0]  }
0x2d: {  	s3 =	simm.s32 $0x108;
	s8 =	sld [smem:$0x3FA1]  }
0x2e: {  	s3 =	simm.s32 @!p0 $0x1082;
	s9 =	sld [smem:$0x3FA2]  }
0x2f: {  	lr =	sadd.s32 s0, s3;
	s0 =	sld [smem:$0x3F99]  }
0x30: {  	s3 =	sld [smem:$0x3F9C]  }
0x31: {  	[smem:$0x3FA5] =	sst s10  }
0x32: {  	s10 =	sld [smem:$0x3FA3];
	_ =	sdelay $0x3  }
0x33: {  	p0 =	seq.s32 s10, $0x1;
	s10 =	sld [smem:$0x3FA5];
	_ =	sdelay $0x3  }
0x34: {  	[smem:$0x3FA5] =	sst s10  }
0x35: {  	s10 =	sld [smem:$0x3FA4];
	_ =	sdelay $0x3  }
0x36: {  	p1 =	seq.s32 s10, $0x1;
	s10 =	sld [smem:$0x3FA5];
	_ =	sdelay $0x3  }
0x37: {  	[smem:$0x3FA5] =	sst s10  }
0x38: {  	s10 =	sld [smem:$0x3FA6]  }
0x39: {  	_ = 	snop;
	(pc) =	sbr.ind lr, $3  }
0x3a: {  	_ = 	snop  }
0x3b: {  	_ = 	snop  }
0x3c: {  	p2 =	seq.s32 s10, $0x1;
	s10 =	sld [smem:$0x3FA5]  }
0x3d: {  	_ =	shalt  }
0x3e: {  	_ =	shalt  }
0x3f: {  	_ =	shalt  }
0x40: {  	_ =	shalt  }
0x41: {  	_ =	shalt  }
0x42: {  	_ =	shalt  }
0x43: {  	_ =	shalt  }
0x44: {  	_ =	shalt  }
0x45: {  	_ =	shalt  }
0x46: {  	_ =	shalt  }
0x47: {  	_ =	shalt  }
0x48: {  	_ =	shalt  }
0x49: {  	_ =	shalt  }
0x4a: {  	_ =	shalt  }
0x4b: {  	_ =	shalt  }
0x4c: {  	_ =	shalt  }
0x4d: {  	_ =	shalt  }
0x4e: {  	_ =	shalt  }
0x4f: {  	_ =	shalt  }
0x50: {  	_ =	shalt  }
0x51: {  	_ =	shalt  }
0x52: {  	_ =	shalt  }
0x53: {  	_ =	shalt  }
0x54: {  	_ =	shalt  }
0x55: {  	_ =	shalt  }
0x56: {  	_ =	shalt  }
0x57: {  	_ =	shalt  }
0x58: {  	_ =	shalt  }
0x59: {  	_ =	shalt  }
0x5a: {  	_ =	shalt  }
0x5b: {  	_ =	shalt  }
0x5c: {  	_ =	shalt  }
0x5d: {  	_ =	shalt  }
0x5e: {  	_ =	shalt  }
0x5f: {  	_ =	shalt  }
0x60: {  	_ =	shalt  }
0x61: {  	_ =	shalt  }
0x62: {  	_ =	shalt  }
0x63: {  	_ =	shalt  }
0x64: {  	_ =	shalt  }
0x65: {  	_ =	shalt  }
0x66: {  	_ =	shalt  }
0x67: {  	_ =	shalt  }
0x68: {  	_ =	shalt  }
0x69: {  	_ =	shalt  }
0x6a: {  	_ =	shalt  }
0x6b: {  	_ =	shalt  }
0x6c: {  	_ =	shalt  }
0x6d: {  	_ =	shalt  }
0x6e: {  	_ =	shalt  }
0x6f: {  	_ =	shalt  }
0x70: {  	_ =	shalt  }
0x71: {  	_ =	shalt  }
0x72: {  	_ =	shalt  }
0x73: {  	_ =	shalt  }
0x74: {  	_ =	shalt  }
0x75: {  	_ =	shalt  }
0x76: {  	_ =	shalt  }
0x77: {  	_ =	shalt  }
0x78: {  	_ =	shalt  }
0x79: {  	_ =	shalt  }
0x7a: {  	_ =	shalt  }
0x7b: {  	_ =	shalt  }
0x7c: {  	_ =	shalt  }
0x7d: {  	_ =	shalt  }
0x7e: {  	_ =	shalt  }
0x7f: {  	_ =	shalt  }
0x80: {  	_ =	shalt  }
0x81: {  	_ =	shalt  }
0x82: {  	_ =	shalt  }
0x83: {  	_ =	shalt  }
0x84: {  	_ =	shalt  }
0x85: {  	_ =	shalt  }
0x86: {  	_ =	shalt  }
0x87: {  	_ =	shalt  }
.Lfunc_end0:
.L_simem_size_0:
called_computation.1_lowered:
.L_overlay_start_0:
0x88: {  	s2 =	sld [smem:$0x3FD9]  }
0x89: {  	s3 =	sld [smem:$0x3FFE];
	_ =	sdelay $0x1  }
0x8a: {  	s1 =	srdreg.scid  }
0x8b: {  	s0 =	sand.u32 $0x1, s1  }
0x8c: {  	s16 =	sshll.u32 s0, $0xA;
	s2 =	sadd.s32 s3, s2  }
0x8d: {  	s2 =	sadd.s32 s2, s16  }
0x8e: {  	[smem:$0x3FB1] =	sst s2  }
0x8f: {  	_ = 	snop  }
0x90: {  	(tm) =	ssettm $0x1  }
0x91: {  	s17 =	sld [smem:$0x3FFB];
	_ =	sdelay $0x3  }
0x92: {  	_ =	strace s17  }
0x93: {  	s2 =	sld [smem:$0x3FFC];
	_ =	sdelay $0x3  }
0x94: {  	_ =	strace s2  }
0x95: {  	s2 =	sld [smem:$0x3FFD];
	_ =	sdelay $0x3  }
0x96: {  	_ =	strace s2  }
0x97: {  	_ =	strace $0x8FFFFFFF  }
0x98: {  	s18 =	sld [smem:$0x3FDB];
	_ =	sdelay $0x1  }
0x99: {  	s19 =	simm.s32 $_scs_section_size  }
0x9a: {  	s4 =	simm.s32 $_size__tile_overlayer_lowered;
	s5 =	simm.s32 $_tile_overlayer_lowered  }
0x9b: {  	s22 =	simm.s32 $0x1BFF;
	s21 =	sshll.u32 s5, $0x1;
	s2 =	sadd.s32 s19, s18  }
0x9c: {  	s6 =	simm.s32 $0x0;
	s20 =	sshll.u32 s4, $0x1;
	s4 =	sadd.s32 s21, s2  }
0x9d: {  	[timem:s6], [sflag:s22] =	dma.local [hbm:s4], s20  }
0x9e: {  	_ =	swait.ge [sflag:s22], s20  }
0x9f: {  	s3 =	ssub.s32 $0x0, s20;
	[sflag:s22] =	ssyncset.done $0x0  }
0xa0: {  	[sflag:s22] =	ssyncadd.s32 s3;
	_ =	sdelay $0x1  }
0xa1: {  	s23 =	simm.s32 $0x1B8B  }
0xa2: {  	_ =	swait.ge [sflag:s23], $0x1  }
0xa3: {  	[sflag:s23] =	ssyncset.done $0x0  }
0xa4: {  	s25 =	simm.s32 $0x1B8E;
	s24 =	sld [smem:$0x3FFE];
	[sflag:s23] =	ssyncadd.s32 $0xFFFFFFFF  }
0xa5: {  	s26 =	simm.s32 $execute0_lowered;
	[smem:$0x3FD2] =	sst s25  }
0xa6: {  	s4 =	sshll.u32 s26, $0x1;
	_ =	strace $0x80000046;
	[dreg:$0x1] =	wrdreg $0xFFFFFFFF  }
0xa7: {  	s28 =	simm.s32 $_size_execute0_lowered;
	s2 =	sadd.s32 s2, s4;
	[dreg:$0x0] =	wrdreg $0x0  }
0xa8: {  	s4 =	sshll.u32 s28, $0x1;
	[dreg:$0x2] =	wrdreg s2  }
0xa9: {  	[dreg:$0x3] =	wrdreg s4  }
0xaa: {  	[dreg:$0x4] =	wrdreg $0xC0  }
0xab: {  	_ =	task [dreg:s6], $0x5FFFF  }
0xac: {  	[dreg:$0x1] =	wrdreg $0xFFFFFFFF  }
0xad: {  	[dreg:$0x0] =	wrdreg $0x60  }
0xae: {  	[dreg:$0x2] =	wrdreg s24  }
0xaf: {  	[dreg:$0x3] =	wrdreg $0xA  }
0xb0: {  	_ =	task.clear_ibuf [dreg:s6], $0x4FFFF;
	_ =	strace $0x90000046  }
0xb1: {  	s29 =	simm.s32 $0xA;
	_ =	strace $0x80000048  }
0xb2: {  	_ =	swait.ge [sflag:s29], $0x1  }
0xb3: {  	[sflag:s29] =	ssyncadd.s32 $0xFFFFFFFF  }
0xb4: {  	_ =	strace $0x90000048  }
0xb5: {  	_ =	sfence  }
0xb6: {  	s30 =	sld [smem:$0x0];
	_ =	sdelay $0x2  }
0xb7: {  	s31 =	sshll.u32 s1, $0xD;
	s1 =	sshrl.u32 s1, $0x2  }
0xb8: {  	s3 =	sand.u32 $0x4000, s31;
	s1 =	sadd.s32 s1, s30  }
0xb9: {  	s0 =	sor.u32 s3, s0;
	s1 =	sshll.u32 s1, $0x11  }
0xba: {  	s0 =	sor.u32 s1, s0  }
0xbb: {  	s0 =	sadd.s32 $0x8F2B, s0  }
0xbc: {  	[sflag:s0] =	ssyncadd.remote.s32 $0x1  }
0xbd: {  	_ =	sfence.sel $0xFFFF  }
0xbe: {  	[dreg:$0x0] =	wrdreg $0xFFFFFFFF;
	(pc) =	sbr.abs _section_cstart, $3  }
0xbf: {  	[dreg:$0x1] =	wrdreg $0xFFFFFFFF  }
0xc0: {  	_ =	task.clear_ibuf [dreg:s6], $0x2FFFF;
	_ =	strace $0x9FFFFFFF  }
0xc1: {  	(tm) =	ssettm $0x7FFFFFFF  }
tec
execute0_lowered:
.L_overlay_start_1:
0x0: {  	(tag) =	ssettag $0x1  }
0x1: {  	s5 =	rddreg [dreg:$0x0]  }
0x2: {  	s0 =	rddreg [dreg:$0x1];
	s1 =	simm.s32 $0x0;
	s2 =	srdreg.scid  }
0x3: {  	s13 =	simm.s32 $0x1200;
	s14 =	simm.s32 $0x100;
	s15 =	simm.s32 $0x2200  }
0x4: {  	s16 =	simm.s32 $0x180;
	s17 =	simm.s32 $0x3200;
	s18 =	simm.s32 $0x0  }
0x5: {  	[smem:$0x7FF] =	sst s1;
	s7 =	sand.u32 $0x1, s2;
	s3 =	sadd.s32 $0x2E400, s5  }
0x6: {  	s2 =	stileid.u32;
	s4 =	sadd.s32 $0x38200, s5;
	s5 =	sadd.s32 $0x42000, s5  }
0x7: {  	_ =	strace $0x80000047;
	s6 =	ssub.s32 $0x2, s7;
	s9 =	sshll.u32 s2, $0x1  }
0x8: {  	s31 =	sshll.u32 s2, $0x7;
	s10 =	sshll.u32 s7, $0x6;
	s11 =	sshll.u32 s2, $0xC  }
0x9: {  	s12 =	sshll.u32 s7, $0xB;
	s8 =	sshrl.u32 s6, $0x1;
	s30 =	sor.u32 s9, s7  }
0xa: {  	s9 =	sor.u32 s12, s11;
	s11 =	simm.s32 $0x80;
	s6 =	ssub.s32 s6, s8  }
0xb: {  	s12 =	simm.s32 $0x200;
	s8 =	ssub.s32 $0x290, s30;
	s6 =	smax.u32 s6, $0x1  }
0xc: {  	s7 =	sshrl.u32 s8, $0x5;
	s8 =	sor.u32 s10, s31;
	s10 =	simm.s32 $0x1  }
.LBB2_1:
0xd: {  	p1 =	sne.s32 s7, $0x1  }
.Ltmp0:
0xe: {  	_ = 	snop;
	(pc) =	sbr.rel @!p1 .LBB2_2-.Ltmp0, $2  }
0xf: {  	_ =	sdelay $0x2  }
0x10: {  	s19 =	sadd.s32 $0xFFFFFFFF, s7;
	s22 =	sand.u32 $0x1FFFFFC0, s8;
	p0 =	por $0x0, $0x0  }
0x11: {  	s20 =	sadd.s32 s4, s22  }
0x12: {  	[tilespmem:s1], [sflag:$0x1] =	stream.linear.gather [hbm4b:s20+s1], $0x200, $0x38;
	[tilespmem:$0x4200] =	vst v63  }
0x13: {  	_ =	swait.ge [sflag:s10], $0x200  }
0x14: {  	[sflag:s10] =	ssyncset.done $0x0  }
0x15: {  	[sflag:s10] =	ssyncadd.s32 $0xFFFFFE00  }
0x16: {  	[tilespmem:s12], [sflag:$0x1] =	stream.indirect.gather [hbm4b:s3+s11], $0x20, s1, s11, $0xb8;
	[tilespmem:$0x4200] =	vst v63  }
0x17: {  	_ = 	snop  }
0x18: {  	[tilespmem:s13], [sflag:$0x1] =	stream.indirect.gather [hbm4b:s3+s11], $0x20, s11, s11, $0xb8;
	[tilespmem:$0x4200] =	vst v63  }
0x19: {  	_ = 	snop  }
0x1a: {  	[tilespmem:s15], [sflag:$0x1] =	stream.indirect.gather [hbm4b:s3+s11], $0x20, s14, s11, $0xb8;
	[tilespmem:$0x4200] =	vst v63  }
0x1b: {  	_ = 	snop  }
0x1c: {  	[tilespmem:s17], [sflag:$0x1] =	stream.indirect.gather [hbm4b:s3+s11], $0x20, s16, s11, $0xb8;
	[tilespmem:$0x4200] =	vst v63  }
0x1d: {  	_ =	swait.ge [sflag:s10], $0x1000  }
0x1e: {  	[sflag:s10] =	ssyncset.done $0x0  }
0x1f: {  	[sflag:s10] =	ssyncadd.s32 $0xFFFFF000  }
0x20: {  	_ =	swait.ge [sflag:s10], $0x1000  }
0x21: {  	[sflag:s10] =	ssyncset.done $0x0  }
0x22: {  	[sflag:s10] =	ssyncadd.s32 $0xFFFFF000  }
0x23: {  	_ =	swait.ge [sflag:s10], $0x1000  }
0x24: {  	[sflag:s10] =	ssyncset.done $0x0  }
0x25: {  	[sflag:s10] =	ssyncadd.s32 $0xFFFFF000  }
0x26: {  	p1 =	sne.s32 s19, $0x1;
	_ =	swait.ge [sflag:s10], $0x1000  }
.Ltmp1:
0x27: {  	s31 =	sand.u32 $0x1FFFF800, s9;
	[sflag:s10] =	ssyncset.done $0x0;
	(pc) =	sbr.rel @!p1 .LBB2_4-.Ltmp1, $4  }
0x28: {  	s21 =	sadd.s32 $0x800, s8;
	s20 =	sadd.s32 s5, s31;
	[sflag:s10] =	ssyncadd.s32 $0xFFFFF000  }
0x29: {  	[hbm4b:s20+s1] =	stream.linear.scatter [tilespmem:s12], [sflag:$0x1], $0x4000, $0x38;
	[tilespmem:$0x4200] =	vst v63  }
0x2a: {  	p0 =	por $0x1, $0x1;
	s22 =	sand.u32 $0x1FFFFFC0, s21;
	_ =	swait.ge [sflag:s10], $0x4000  }
0x2b: {  	s20 =	sadd.s32 $0xFFFFFFFF, s19;
	s19 =	smov.u32 s9;
	[sflag:s10] =	ssyncset.done $0x0  }
.LBB2_5:
0x2c: {  	s22 =	sadd.s32 s4, s22;
	[sflag:s10] =	ssyncadd.s32 $0xFFFFC000;
	s19 =	sadd.s32 $0x10000, s19  }
0x2d: {  	[tilespmem:s1], [sflag:$0x1] =	stream.linear.gather [hbm4b:s22+s1], $0x200, $0x38;
	[tilespmem:$0x4200] =	vst v63  }
0x2e: {  	p1 =	sne.s32 s20, $0x1;
	s20 =	sadd.s32 $0xFFFFFFFF, s20;
	_ =	swait.ge [sflag:s10], $0x200  }
0x2f: {  	[sflag:s10] =	ssyncset.done $0x0  }
0x30: {  	[sflag:s10] =	ssyncadd.s32 $0xFFFFFE00  }
0x31: {  	[tilespmem:s12], [sflag:$0x1] =	stream.indirect.gather [hbm4b:s3+s11], $0x20, s1, s11, $0xb8;
	[tilespmem:$0x4200] =	vst v63  }
0x32: {  	_ = 	snop  }
0x33: {  	[tilespmem:s13], [sflag:$0x1] =	stream.indirect.gather [hbm4b:s3+s11], $0x20, s11, s11, $0xb8;
	[tilespmem:$0x4200] =	vst v63  }
0x34: {  	_ = 	snop  }
0x35: {  	[tilespmem:s15], [sflag:$0x1] =	stream.indirect.gather [hbm4b:s3+s11], $0x20, s14, s11, $0xb8;
	[tilespmem:$0x4200] =	vst v63  }
0x36: {  	_ = 	snop  }
0x37: {  	[tilespmem:s17], [sflag:$0x1] =	stream.indirect.gather [hbm4b:s3+s11], $0x20, s16, s11, $0xb8;
	[tilespmem:$0x4200] =	vst v63  }
0x38: {  	_ =	swait.ge [sflag:s10], $0x1000  }
0x39: {  	[sflag:s10] =	ssyncset.done $0x0  }
0x3a: {  	[sflag:s10] =	ssyncadd.s32 $0xFFFFF000  }
0x3b: {  	_ =	swait.ge [sflag:s10], $0x1000  }
0x3c: {  	[sflag:s10] =	ssyncset.done $0x0  }
0x3d: {  	[sflag:s10] =	ssyncadd.s32 $0xFFFFF000  }
0x3e: {  	_ =	swait.ge [sflag:s10], $0x1000  }
0x3f: {  	[sflag:s10] =	ssyncset.done $0x0  }
0x40: {  	[sflag:s10] =	ssyncadd.s32 $0xFFFFF000  }
0x41: {  	_ =	swait.ge [sflag:s10], $0x1000  }
.Ltmp2:
0x42: {  	s22 =	sand.u32 $0x1FFFF800, s19;
	[sflag:s10] =	ssyncset.done $0x0;
	(pc) =	sbr.rel @p1 .LBB2_5-.Ltmp2, $4  }
0x43: {  	s22 =	sadd.s32 s5, s22;
	[sflag:s10] =	ssyncadd.s32 $0xFFFFF000  }
0x44: {  	[hbm4b:s22+s1] =	stream.linear.scatter [tilespmem:s12], [sflag:$0x1], $0x4000, $0x38;
	[tilespmem:$0x4200] =	vst v63  }
0x45: {  	s21 =	sadd.s32 $0x800, s21;
	_ =	swait.ge [sflag:s10], $0x4000  }
0x46: {  	s22 =	sand.u32 $0x1FFFFFC0, s21;
	[sflag:s10] =	ssyncset.done $0x0  }
.LBB2_6:
0x47: {  	s20 =	sadd.s32 s4, s22;
	[sflag:s10] =	ssyncadd.s32 @p0 $0xFFFFC000  }
0x48: {  	[tilespmem:s1], [sflag:$0x1] =	stream.linear.gather [hbm4b:s20+s1], $0x200, $0x38;
	[tilespmem:$0x4200] =	vst v63  }
0x49: {  	_ =	swait.ge [sflag:s10], $0x200  }
0x4a: {  	[sflag:s10] =	ssyncset.done $0x0  }
0x4b: {  	[sflag:s10] =	ssyncadd.s32 $0xFFFFFE00  }
0x4c: {  	[tilespmem:s12], [sflag:$0x1] =	stream.indirect.gather [hbm4b:s3+s11], $0x20, s1, s11, $0xb8;
	[tilespmem:$0x4200] =	vst v63  }
0x4d: {  	_ = 	snop  }
0x4e: {  	[tilespmem:s13], [sflag:$0x1] =	stream.indirect.gather [hbm4b:s3+s11], $0x20, s11, s11, $0xb8;
	[tilespmem:$0x4200] =	vst v63  }
0x4f: {  	_ = 	snop  }
0x50: {  	[tilespmem:s15], [sflag:$0x1] =	stream.indirect.gather [hbm4b:s3+s11], $0x20, s14, s11, $0xb8;
	[tilespmem:$0x4200] =	vst v63  }
0x51: {  	_ = 	snop  }
0x52: {  	[tilespmem:s17], [sflag:$0x1] =	stream.indirect.gather [hbm4b:s3+s11], $0x20, s16, s11, $0xb8;
	[tilespmem:$0x4200] =	vst v63  }
0x53: {  	_ =	swait.ge [sflag:s10], $0x1000  }
0x54: {  	[sflag:s10] =	ssyncset.done $0x0  }
0x55: {  	[sflag:s10] =	ssyncadd.s32 $0xFFFFF000  }
0x56: {  	_ =	swait.ge [sflag:s10], $0x1000  }
0x57: {  	[sflag:s10] =	ssyncset.done $0x0  }
0x58: {  	[sflag:s10] =	ssyncadd.s32 $0xFFFFF000  }
0x59: {  	_ =	swait.ge [sflag:s10], $0x1000  }
0x5a: {  	[sflag:s10] =	ssyncset.done $0x0  }
0x5b: {  	s19 =	sadd.s32 @p0 $0x10000, s19;
	s20 =	smov.u32 s9;
	[sflag:s10] =	ssyncadd.s32 $0xFFFFF000  }
0x5c: {  	s20 =	smov.u32 @p0 s19;
	_ =	swait.ge [sflag:s10], $0x1000  }
0x5d: {  	s18 =	sadd.s32 $0x1, s18;
	s19 =	sand.u32 $0x1FFFF800, s20;
	[sflag:s10] =	ssyncset.done $0x0  }
0x5e: {  	p0 =	sne.s32 s18, s6;
	s19 =	sadd.s32 s5, s19;
	[sflag:s10] =	ssyncadd.s32 $0xFFFFF000  }
0x5f: {  	[hbm4b:s19+s1] =	stream.linear.scatter [tilespmem:s12], [sflag:$0x1], $0x4000, $0x38;
	[tilespmem:$0x4200] =	vst v63  }
.Ltmp3:
0x60: {  	_ = 	snop;
	(pc) =	sbr.rel @p0 .LBB2_1-.Ltmp3, $4  }
.Ltmp4:
0x61: {  	_ = 	snop;
	(pc) =	sbr.rel @!p0 .LBB2_7-.Ltmp4, $4  }
0x62: {  	_ =	swait.ge [sflag:s10], $0x4000  }
0x63: {  	[sflag:s10] =	ssyncset.done $0x0  }
0x64: {  	[sflag:s10] =	ssyncadd.s32 $0xFFFFC000  }
0x65: {  	_ = 	snop  }
.LBB2_2:
.Ltmp5:
0x66: {  	(pc) =	sbr.rel .LBB2_6-.Ltmp5, $2  }
0x67: {  	_ =	sdelay $0x2  }
0x68: {  	s19 =	smov.u32 s9  }
.LBB2_4:
.Ltmp6:
0x69: {  	(pc) =	sbr.rel .LBB2_6-.Ltmp6, $2  }
0x6a: {  	_ =	sdelay $0x2  }
0x6b: {  	s19 =	smov.u32 s9  }
.LBB2_7:
0x6c: {  	_ =	sfence.sel $0x180000  }
0x6d: {  	[bflag:$0x0] =	sbarrier.arrive $0xFFFF  }
0x6e: {  	p0 =	sne.s32 s2, $0x0;
	_ =	strace $0x90000047  }
0x6f: {  	s0 =	sadd.s32 @!p0 $0x100000, s0;
	[bflag:$0x2] =	sbarrier.arrive $0xFFFF  }
0x70: {  	[sflag:s0] =	ssyncadd.tile.s32 @!p0 $0x1;
	_ =	shalt  }
.Lfunc_end2:
_tile_overlayer_lowered:
.L_overlay_start_2:
0x71: {  	(tag) =	ssettag $0x2  }
0x72: {  	s0 =	rddreg [dreg:$0x0];
	s2 =	stileid.u32  }
0x73: {  	s1 =	rddreg [dreg:$0x1];
	p0 =	sne.s32 s2, $0x0  }
0x74: {  	s3 =	rddreg [dreg:$0x2];
	[bflag:$0x3] =	sbarrier.arrive $0xFFFF;
	s2 =	simm.s32 @!p0 $0x1C02  }
0x75: {  	[timem:s3], [sflag:s2] =	dma.local @!p0 [hbm:s0], s1  }
0x76: {  	s0 =	simm.s32 @!p0 $0x2  }
0x77: {  	_ =	swait.ge @!p0 [sflag:s0], s1  }
0x78: {  	s1 =	ssub.s32 @!p0 $0x0, s1;
	[sflag:s0] =	ssyncset.done @!p0 $0x0  }
0x79: {  	[sflag:s0] =	ssyncadd.s32 @!p0 s1  }
0x7a: {  	[bflag:$0x3] =	sbarrier.arrive $0xFFFF  }
0x7b: {  	_ =	shalt  }

// kernel: kernel.14.cloned.1.call-start
scs
__scs_entry_jumppad:
0x0: {  	(pc) =	sbr.rel $0x88, $3  }
0x1: {  	(tag) =	ssettag $0x0;
	lr =	simm.s32 $0x1  }
0x2: {  	[smem:$0x3F8A] =	sst lr;
	_ =	strace $0xD0000000  }
0x3: {  	_ = 	snop  }
0x4: {  	_ = 	snop  }
0x5: {  	_ = 	snop  }
0x6: {  	_ = 	snop  }
0x7: {  	_ = 	snop  }
__scs_overlays_trampoline_lowered:
0x8: {  	[smem:$0x3F99] =	sst s0  }
0x9: {  	[smem:$0x3F9A] =	sst s1  }
0xa: {  	[smem:$0x3F9B] =	sst s2  }
0xb: {  	[smem:$0x3F9C] =	sst s3  }
0xc: {  	[smem:$0x3F9D] =	sst s4  }
0xd: {  	[smem:$0x3F9E] =	sst s5  }
0xe: {  	[smem:$0x3F9F] =	sst s6  }
0xf: {  	[smem:$0x3FA0] =	sst s7  }
0x10: {  	[smem:$0x3FA1] =	sst s8  }
0x11: {  	[smem:$0x3FA2] =	sst s9;
	s0 =	simm.s32 @!p0 $0x0  }
0x12: {  	s1 =	sld [smem:$0x3F88];
	s0 =	simm.s32 @p0 $0x1  }
0x13: {  	[smem:$0x3FA3] =	sst s0;
	s0 =	simm.s32 @!p1 $0x0  }
0x14: {  	s2 =	sld [smem:$0x3F87];
	s0 =	simm.s32 @p1 $0x1  }
0x15: {  	[smem:$0x3FA4] =	sst s0;
	s0 =	simm.s32 @!p2 $0x0  }
0x16: {  	s3 =	sld [smem:$0x3FDB];
	s0 =	simm.s32 @p2 $0x1  }
0x17: {  	s4 =	simm.s32 $0x1BF5;
	[smem:$0x3FA6] =	sst s0  }
0x18: {  	s0 =	sld [smem:$0x3F89];
	_ =	swait.ge [sflag:s4], $0x0  }
0x19: {  	s7 =	sld [smem:$0x3F8A]  }
0x1a: {  	s8 =	sadd.s32 $0xFFFFE003, lr  }
0x1b: {  	s9 =	sadd.s32 $0xFFFFFEF7, lr;
	s5 =	simm.s32 $0xFFFFFFFF;
	p2 =	slt.u32 s8, $0xFFFFF086  }
0x1c: {  	p1 =	slt.u32 s9, $0xF7A;
	s5 =	simm.s32 @!p2 $0x0  }
0x1d: {  	s5 =	simm.s32 @p1 $0x1;
	p0 =	seq.s32 s7, s2  }
0x1e: {  	s7 =	smul.u32 @!p0 $0xF7A, s2;
	p2 =	seq.s32 @!p0 s5, $0x0  }
0x1f: {  	s9 =	smul.u32 $0xF7A, s1;
	s8 =	simm.s32 @!p0 $0x1BF5;
	p2 =	por !p2, p0  }
0x20: {  	[sflag:s8] =	ssyncset.s32 @!p0 $0xFFFFF086;
	s6 =	sadd.s32 @!p0 s3, s7;
	s7 =	simm.s32 @!p0 $0x108  }
0x21: {  	s3 =	sadd.s32 s3, s9;
	s6 =	sadd.s32 @!p0 $0x88, s6;
	s7 =	simm.s32 @p2 $0x1082  }
0x22: {  	[simem:s7], [sflag:s8] =	dma.local @!p0 [hbm:s6], $0xF7A  }
0x23: {  	s9 =	sor.u32 $0xD0000000, s2;
	s6 =	simm.s32 $0x108;
	_ =	swait.ge @!p0 [sflag:s8], $0x0  }
0x24: {  	s3 =	sadd.s32 $0x88, s3;
	s6 =	simm.s32 @!p1 $0x1082;
	[sflag:s4] =	ssyncset.s32 $0xFFFFF086  }
0x25: {  	[simem:s6], [sflag:s4] =	dma.local [hbm:s3], $0xF7A  }
0x26: {  	[smem:$0x3F8A] =	sst s1;
	(tag) =	ssettag s2;
	_ =	strace s9  }
0x27: {  	s1 =	sld [smem:$0x3F9A]  }
0x28: {  	s2 =	sld [smem:$0x3F9B]  }
0x29: {  	s4 =	sld [smem:$0x3F9D]  }
0x2a: {  	p0 =	seq.s32 s5, $0x0;
	s5 =	sld [smem:$0x3F9E]  }
0x2b: {  	s6 =	sld [smem:$0x3F9F]  }
0x2c: {  	s7 =	sld [smem:$0x3FA0]  }
0x2d: {  	s3 =	simm.s32 $0x108;
	s8 =	sld [smem:$0x3FA1]  }
0x2e: {  	s3 =	simm.s32 @!p0 $0x1082;
	s9 =	sld [smem:$0x3FA2]  }
0x2f: {  	lr =	sadd.s32 s0, s3;
	s0 =	sld [smem:$0x3F99]  }
0x30: {  	s3 =	sld [smem:$0x3F9C]  }
0x31: {  	[smem:$0x3FA5] =	sst s10  }
0x32: {  	s10 =	sld [smem:$0x3FA3];
	_ =	sdelay $0x3  }
0x33: {  	p0 =	seq.s32 s10, $0x1;
	s10 =	sld [smem:$0x3FA5];
	_ =	sdelay $0x3  }
0x34: {  	[smem:$0x3FA5] =	sst s10  }
0x35: {  	s10 =	sld [smem:$0x3FA4];
	_ =	sdelay $0x3  }
0x36: {  	p1 =	seq.s32 s10, $0x1;
	s10 =	sld [smem:$0x3FA5];
	_ =	sdelay $0x3  }
0x37: {  	[smem:$0x3FA5] =	sst s10  }
0x38: {  	s10 =	sld [smem:$0x3FA6]  }
0x39: {  	_ = 	snop;
	(pc) =	sbr.ind lr, $3  }
0x3a: {  	_ = 	snop  }
0x3b: {  	_ = 	snop  }
0x3c: {  	p2 =	seq.s32 s10, $0x1;
	s10 =	sld [smem:$0x3FA5]  }
0x3d: {  	_ =	shalt  }
0x3e: {  	_ =	shalt  }
0x3f: {  	_ =	shalt  }
0x40: {  	_ =	shalt  }
0x41: {  	_ =	shalt  }
0x42: {  	_ =	shalt  }
0x43: {  	_ =	shalt  }
0x44: {  	_ =	shalt  }
0x45: {  	_ =	shalt  }
0x46: {  	_ =	shalt  }
0x47: {  	_ =	shalt  }
0x48: {  	_ =	shalt  }
0x49: {  	_ =	shalt  }
0x4a: {  	_ =	shalt  }
0x4b: {  	_ =	shalt  }
0x4c: {  	_ =	shalt  }
0x4d: {  	_ =	shalt  }
0x4e: {  	_ =	shalt  }
0x4f: {  	_ =	shalt  }
0x50: {  	_ =	shalt  }
0x51: {  	_ =	shalt  }
0x52: {  	_ =	shalt  }
0x53: {  	_ =	shalt  }
0x54: {  	_ =	shalt  }
0x55: {  	_ =	shalt  }
0x56: {  	_ =	shalt  }
0x57: {  	_ =	shalt  }
0x58: {  	_ =	shalt  }
0x59: {  	_ =	shalt  }
0x5a: {  	_ =	shalt  }
0x5b: {  	_ =	shalt  }
0x5c: {  	_ =	shalt  }
0x5d: {  	_ =	shalt  }
0x5e: {  	_ =	shalt  }
0x5f: {  	_ =	shalt  }
0x60: {  	_ =	shalt  }
0x61: {  	_ =	shalt  }
0x62: {  	_ =	shalt  }
0x63: {  	_ =	shalt  }
0x64: {  	_ =	shalt  }
0x65: {  	_ =	shalt  }
0x66: {  	_ =	shalt  }
0x67: {  	_ =	shalt  }
0x68: {  	_ =	shalt  }
0x69: {  	_ =	shalt  }
0x6a: {  	_ =	shalt  }
0x6b: {  	_ =	shalt  }
0x6c: {  	_ =	shalt  }
0x6d: {  	_ =	shalt  }
0x6e: {  	_ =	shalt  }
0x6f: {  	_ =	shalt  }
0x70: {  	_ =	shalt  }
0x71: {  	_ =	shalt  }
0x72: {  	_ =	shalt  }
0x73: {  	_ =	shalt  }
0x74: {  	_ =	shalt  }
0x75: {  	_ =	shalt  }
0x76: {  	_ =	shalt  }
0x77: {  	_ =	shalt  }
0x78: {  	_ =	shalt  }
0x79: {  	_ =	shalt  }
0x7a: {  	_ =	shalt  }
0x7b: {  	_ =	shalt  }
0x7c: {  	_ =	shalt  }
0x7d: {  	_ =	shalt  }
0x7e: {  	_ =	shalt  }
0x7f: {  	_ =	shalt  }
0x80: {  	_ =	shalt  }
0x81: {  	_ =	shalt  }
0x82: {  	_ =	shalt  }
0x83: {  	_ =	shalt  }
0x84: {  	_ =	shalt  }
0x85: {  	_ =	shalt  }
0x86: {  	_ =	shalt  }
0x87: {  	_ =	shalt  }
.Lfunc_end0:
.L_simem_size_0:
called_computation.2_lowered:
.L_overlay_start_0:
0x88: {  	s2 =	sld [smem:$0x3FD9]  }
0x89: {  	s3 =	sld [smem:$0x3FFE];
	_ =	sdelay $0x1  }
0x8a: {  	s1 =	srdreg.scid  }
0x8b: {  	s0 =	sand.u32 $0x1, s1  }
0x8c: {  	s14 =	sshll.u32 s0, $0xA;
	s2 =	sadd.s32 s3, s2  }
0x8d: {  	s2 =	sadd.s32 s2, s14  }
0x8e: {  	[smem:$0x3FB1] =	sst s2  }
0x8f: {  	_ = 	snop  }
0x90: {  	s2 =	sld [smem:$0x3FD0];
	_ =	sdelay $0x2  }
0x91: {  	s15 =	simm.s32 $0xB;
	s4 =	simm.s32 $0x10  }
0x92: {  	[smem:s4], [sflag:s15] =	dma.local [hbm:s2], $0x1  }
0x93: {  	_ =	swait.eq [sflag:s15], $0x1  }
0x94: {  	[sflag:s15] =	ssyncset.done $0x0  }
0x95: {  	[sflag:s15] =	ssyncadd.s32 $0xFFFFFFFF  }
0x96: {  	s16 =	sld [smem:$0x10];
	(tm) =	ssettm $0x1  }
0x97: {  	s17 =	sld [smem:$0x3FFB];
	_ =	sdelay $0x3  }
0x98: {  	_ =	strace s17  }
0x99: {  	s3 =	sld [smem:$0x3FFC];
	_ =	sdelay $0x3  }
0x9a: {  	_ =	strace s3  }
0x9b: {  	s3 =	sld [smem:$0x3FFD];
	_ =	sdelay $0x3  }
0x9c: {  	_ =	strace s3  }
0x9d: {  	_ =	strace $0x8FFFFFFF  }
0x9e: {  	s18 =	sld [smem:$0x3FDB];
	_ =	sdelay $0x1  }
0x9f: {  	s19 =	simm.s32 $_scs_section_size  }
0xa0: {  	s5 =	simm.s32 $_size__tile_overlayer_lowered;
	s6 =	simm.s32 $_tile_overlayer_lowered  }
0xa1: {  	s22 =	simm.s32 $0x1BFF;
	s21 =	sshll.u32 s6, $0x1;
	s3 =	sadd.s32 s19, s18  }
0xa2: {  	s7 =	simm.s32 $0x0;
	s20 =	sshll.u32 s5, $0x1;
	s5 =	sadd.s32 s21, s3  }
0xa3: {  	[timem:s7], [sflag:s22] =	dma.local [hbm:s5], s20  }
0xa4: {  	_ =	swait.ge [sflag:s22], s20  }
0xa5: {  	s4 =	ssub.s32 $0x0, s20;
	[sflag:s22] =	ssyncset.done $0x0  }
0xa6: {  	[sflag:s22] =	ssyncadd.s32 s4;
	_ =	sdelay $0x1  }
0xa7: {  	s23 =	simm.s32 $0x1B8B  }
0xa8: {  	_ =	swait.ge [sflag:s23], $0x1  }
0xa9: {  	[sflag:s23] =	ssyncset.done $0x0  }
0xaa: {  	s25 =	simm.s32 $0x1B8E;
	s24 =	sld [smem:$0x3FFE];
	[sflag:s23] =	ssyncadd.s32 $0xFFFFFFFF  }
0xab: {  	s26 =	simm.s32 $execute0_lowered;
	[smem:$0x3FD2] =	sst s25  }
0xac: {  	s5 =	sshll.u32 s26, $0x1;
	_ =	strace $0x8000004C;
	[dreg:$0x1] =	wrdreg $0xFFFFFFFF  }
0xad: {  	s28 =	simm.s32 $_size_execute0_lowered;
	s3 =	sadd.s32 s3, s5;
	[dreg:$0x0] =	wrdreg $0x0  }
0xae: {  	s5 =	sshll.u32 s28, $0x1;
	[dreg:$0x2] =	wrdreg s3  }
0xaf: {  	[dreg:$0x3] =	wrdreg s5  }
0xb0: {  	[dreg:$0x4] =	wrdreg $0xC0  }
0xb1: {  	_ =	task [dreg:s7], $0x5FFFF  }
0xb2: {  	[dreg:$0x1] =	wrdreg $0xFFFFFFFF  }
0xb3: {  	[dreg:$0x0] =	wrdreg $0x60  }
0xb4: {  	[dreg:$0x2] =	wrdreg s24  }
0xb5: {  	[dreg:$0x3] =	wrdreg s16  }
0xb6: {  	[dreg:$0x4] =	wrdreg $0xA2000  }
0xb7: {  	[dreg:$0x5] =	wrdreg $0x9  }
0xb8: {  	_ =	task.clear_ibuf [dreg:s7], $0x6FFFF;
	_ =	strace $0x9000004C  }
0xb9: {  	s29 =	simm.s32 $0x9;
	_ =	strace $0x8000004E  }
0xba: {  	_ =	swait.ge [sflag:s29], $0x1  }
0xbb: {  	[sflag:s29] =	ssyncadd.s32 $0xFFFFFFFF  }
0xbc: {  	_ =	strace $0x9000004E  }
0xbd: {  	_ =	sfence  }
0xbe: {  	s30 =	sld [smem:$0x0];
	_ =	sdelay $0x2  }
0xbf: {  	s31 =	sshll.u32 s1, $0xD;
	s1 =	sshrl.u32 s1, $0x2  }
0xc0: {  	s3 =	sand.u32 $0x4000, s31;
	s1 =	sadd.s32 s1, s30  }
0xc1: {  	s0 =	sor.u32 s3, s0;
	s1 =	sshll.u32 s1, $0x11  }
0xc2: {  	s0 =	sor.u32 s1, s0  }
0xc3: {  	s0 =	sadd.s32 $0x8F2B, s0  }
0xc4: {  	[sflag:s0] =	ssyncadd.remote.s32 $0x1  }
0xc5: {  	_ =	sfence.sel $0xFFFF  }
0xc6: {  	[dreg:$0x0] =	wrdreg $0xFFFFFFFF;
	(pc) =	sbr.abs _section_cstart, $3  }
0xc7: {  	[dreg:$0x1] =	wrdreg $0xFFFFFFFF  }
0xc8: {  	_ =	task.clear_ibuf [dreg:s7], $0x2FFFF;
	_ =	strace $0x9FFFFFFF  }
0xc9: {  	(tm) =	ssettm $0x7FFFFFFF  }
tec
execute0_lowered:
.L_overlay_start_1:
0x0: {  	(tag) =	ssettag $0x1  }
0x1: {  	s6 =	rddreg [dreg:$0x0]  }
0x2: {  	s7 =	rddreg [dreg:$0x1]  }
0x3: {  	s2 =	rddreg [dreg:$0x2]  }
0x4: {  	s0 =	rddreg [dreg:$0x3];
	s3 =	simm.s32 $0x0;
	s4 =	srdreg.scid  }
0x5: {  	s1 =	stileid.u32;
	s17 =	simm.s32 $0x80;
	s18 =	simm.s32 $0x2A00  }
0x6: {  	s19 =	simm.s32 $0x100;
	s20 =	simm.s32 $0x5200;
	s21 =	simm.s32 $0x180  }
0x7: {  	s22 =	simm.s32 $0x7A00;
	s23 =	simm.s32 $0x0;
	[smem:$0x7FF] =	sst s3  }
0x8: {  	s9 =	sand.u32 $0x1, s4;
	s8 =	smul.u32 $0x1900, s1;
	s4 =	sadd.s32 $0x42000, s6  }
0x9: {  	s5 =	sadd.s32 $0x38200, s6;
	s12 =	smul.u32 $0xC800, s1;
	s28 =	sshll.u32 s1, $0x1  }
0xa: {  	s30 =	sshll.u32 s1, $0x6;
	s31 =	smul.u32 $0x14000, s1;
	s14 =	sshll.u32 s1, $0x7  }
0xb: {  	_ =	strace $0x8000004D;
	s10 =	smul.u32 $0x19000, s9;
	s11 =	ssub.s32 $0x2, s9  }
0xc: {  	s15 =	sshll.u32 s9, $0x6;
	s16 =	smul.u32 $0xA000, s9;
	s26 =	sshrl.u32 s11, $0x1  }
0xd: {  	s13 =	sadd.s32 s12, s2;
	s29 =	sshrl.u32 s12, $0x3;
	s8 =	sadd.s32 s8, s10  }
0xe: {  	s10 =	ssub.s32 s11, s26;
	s11 =	sor.u32 s28, s9;
	s12 =	sadd.s32 s16, s31  }
0xf: {  	s13 =	sshrl.u32 s13, $0x3;
	s16 =	simm.s32 $0x1;
	s8 =	sadd.s32 s8, s6  }
0x10: {  	s6 =	sadd.s32 s7, s29;
	s7 =	sor.u32 $0x1C02, s30;
	s11 =	ssub.s32 $0x290, s11  }
0x11: {  	s9 =	smax.u32 s10, $0x1;
	s8 =	sadd.s32 $0x34F400, s8;
	s10 =	sshrl.u32 s11, $0x5  }
0x12: {  	s11 =	sor.u32 s15, s14;
	s14 =	simm.s32 $0x2;
	s15 =	simm.s32 $0x200  }
.LBB2_1:
0x13: {  	[spmem:s13], [sflag:s7] =	dma.local [hbm:s6], $0x1900  }
0x14: {  	p1 =	sne.s32 s10, $0x1  }
.Ltmp0:
0x15: {  	_ =	swait.ge [sflag:s14], $0x1900;
	(pc) =	sbr.rel @!p1 .LBB2_2-.Ltmp0, $4  }
0x16: {  	[sflag:s14] =	ssyncset.done $0x0  }
0x17: {  	[sflag:s14] =	ssyncadd.s32 $0xFFFFE700  }
0x18: {  	[bflag:$0x0] =	sbarrier.arrive $0xFFFF  }
0x19: {  	s24 =	sadd.s32 $0xFFFFFFFF, s10;
	s28 =	sand.u32 $0x1FFFFFC0, s11;
	p0 =	por $0x0, $0x0  }
0x1a: {  	s25 =	sadd.s32 s5, s28;
	s26 =	sshrl.u32 s12, $0x3  }
0x1b: {  	[tilespmem:s3], [sflag:$0x1] =	stream.linear.gather [hbm4b:s25+s3], $0x200, $0x38;
	[tilespmem:$0x16A00] =	vst v63  }
0x1c: {  	s31 =	sadd.s32 s4, s26  }
0x1d: {  	[tilespmem:s15], [sflag:$0x1] =	stream.linear.gather [hbm4b:s31+s3], $0xA000, $0x38;
	[tilespmem:$0x16A00] =	vst v63  }
0x1e: {  	_ =	swait.ge [sflag:s16], $0x200  }
0x1f: {  	[sflag:s16] =	ssyncset.done $0x0  }
0x20: {  	[sflag:s16] =	ssyncadd.s32 $0xFFFFFE00  }
0x21: {  	_ =	swait.ge [sflag:s16], $0xA000  }
0x22: {  	[sflag:s16] =	ssyncset.done $0x0  }
0x23: {  	[sflag:s16] =	ssyncadd.s32 $0xFFFF6000  }
0x24: {  	[spmem:s2] =	stream.indirect.scatter.add.f32 [tilespmem:s15], [sflag:$0x2], $0x50, s3, s17, $0xb8;
	[tilespmem:$0x16A00] =	vst v63  }
0x25: {  	_ =	swait.ge [sflag:s14], $0x2800  }
0x26: {  	[sflag:s14] =	ssyncset.done $0x0  }
0x27: {  	[sflag:s14] =	ssyncadd.s32 $0xFFFFD800  }
0x28: {  	[spmem:s2] =	stream.indirect.scatter.add.f32 [tilespmem:s18], [sflag:$0x2], $0x50, s17, s17, $0xb8;
	[tilespmem:$0x16A00] =	vst v63  }
0x29: {  	_ =	swait.ge [sflag:s14], $0x2800  }
0x2a: {  	[sflag:s14] =	ssyncset.done $0x0  }
0x2b: {  	[sflag:s14] =	ssyncadd.s32 $0xFFFFD800  }
0x2c: {  	[spmem:s2] =	stream.indirect.scatter.add.f32 [tilespmem:s20], [sflag:$0x2], $0x50, s19, s17, $0xb8;
	[tilespmem:$0x16A00] =	vst v63  }
0x2d: {  	p1 =	sne.s32 s24, $0x1;
	_ =	swait.ge [sflag:s14], $0x2800  }
.Ltmp1:
0x2e: {  	[sflag:s14] =	ssyncset.done $0x0;
	(pc) =	sbr.rel @!p1 .LBB2_5-.Ltmp1, $4  }
0x2f: {  	p0 =	por $0x1, $0x1;
	[sflag:s14] =	ssyncadd.s32 $0xFFFFD800  }
0x30: {  	[spmem:s2] =	stream.indirect.scatter.add.f32 [tilespmem:s22], [sflag:$0x2], $0x50, s21, s17, $0xb8;
	[tilespmem:$0x16A00] =	vst v63  }
0x31: {  	s25 =	sadd.s32 $0x800, s11;
	s26 =	sadd.s32 $0xFFFFFFFF, s24;
	_ =	swait.ge [sflag:s14], $0x2800  }
0x32: {  	s24 =	sadd.s32 $0x140000, s12;
	s28 =	sand.u32 $0x1FFFFFC0, s25;
	[sflag:s14] =	ssyncset.done $0x0  }
.LBB2_4:
0x33: {  	s28 =	sadd.s32 s5, s28;
	s29 =	sshrl.u32 s24, $0x3;
	[sflag:s14] =	ssyncadd.s32 $0xFFFFD800  }
0x34: {  	[tilespmem:s3], [sflag:$0x1] =	stream.linear.gather [hbm4b:s28+s3], $0x200, $0x38;
	[tilespmem:$0x16A00] =	vst v63  }
0x35: {  	p1 =	sne.s32 s26, $0x1;
	s26 =	sadd.s32 $0xFFFFFFFF, s26;
	s28 =	sadd.s32 s4, s29  }
0x36: {  	[tilespmem:s15], [sflag:$0x1] =	stream.linear.gather [hbm4b:s28+s3], $0xA000, $0x38;
	[tilespmem:$0x16A00] =	vst v63  }
0x37: {  	_ =	swait.ge [sflag:s16], $0x200  }
0x38: {  	[sflag:s16] =	ssyncset.done $0x0  }
0x39: {  	[sflag:s16] =	ssyncadd.s32 $0xFFFFFE00  }
0x3a: {  	_ =	swait.ge [sflag:s16], $0xA000  }
0x3b: {  	[sflag:s16] =	ssyncset.done $0x0  }
0x3c: {  	[sflag:s16] =	ssyncadd.s32 $0xFFFF6000  }
0x3d: {  	[spmem:s2] =	stream.indirect.scatter.add.f32 [tilespmem:s15], [sflag:$0x2], $0x50, s3, s17, $0xb8;
	[tilespmem:$0x16A00] =	vst v63  }
0x3e: {  	_ =	swait.ge [sflag:s14], $0x2800  }
0x3f: {  	[sflag:s14] =	ssyncset.done $0x0  }
0x40: {  	[sflag:s14] =	ssyncadd.s32 $0xFFFFD800  }
0x41: {  	[spmem:s2] =	stream.indirect.scatter.add.f32 [tilespmem:s18], [sflag:$0x2], $0x50, s17, s17, $0xb8;
	[tilespmem:$0x16A00] =	vst v63  }
0x42: {  	_ =	swait.ge [sflag:s14], $0x2800  }
0x43: {  	[sflag:s14] =	ssyncset.done $0x0  }
0x44: {  	[sflag:s14] =	ssyncadd.s32 $0xFFFFD800  }
0x45: {  	[spmem:s2] =	stream.indirect.scatter.add.f32 [tilespmem:s20], [sflag:$0x2], $0x50, s19, s17, $0xb8;
	[tilespmem:$0x16A00] =	vst v63  }
0x46: {  	_ =	swait.ge [sflag:s14], $0x2800  }
.Ltmp2:
0x47: {  	[sflag:s14] =	ssyncset.done $0x0;
	(pc) =	sbr.rel @p1 .LBB2_4-.Ltmp2, $4  }
0x48: {  	[sflag:s14] =	ssyncadd.s32 $0xFFFFD800  }
0x49: {  	[spmem:s2] =	stream.indirect.scatter.add.f32 [tilespmem:s22], [sflag:$0x2], $0x50, s21, s17, $0xb8;
	[tilespmem:$0x16A00] =	vst v63  }
0x4a: {  	s25 =	sadd.s32 $0x800, s25;
	_ =	swait.ge [sflag:s14], $0x2800  }
0x4b: {  	s24 =	sadd.s32 $0x140000, s24;
	s28 =	sand.u32 $0x1FFFFFC0, s25;
	[sflag:s14] =	ssyncset.done $0x0  }
.LBB2_5:
0x4c: {  	s25 =	sadd.s32 s5, s28;
	s24 =	sshrl.u32 s24, $0x3;
	[sflag:s14] =	ssyncadd.s32 @p0 $0xFFFFD800  }
0x4d: {  	[tilespmem:s3], [sflag:$0x1] =	stream.linear.gather [hbm4b:s25+s3], $0x200, $0x38;
	[tilespmem:$0x16A00] =	vst v63  }
0x4e: {  	s24 =	sadd.s32 s4, s24  }
0x4f: {  	[tilespmem:s15], [sflag:$0x1] =	stream.linear.gather [hbm4b:s24+s3], $0xA000, $0x38;
	[tilespmem:$0x16A00] =	vst v63  }
0x50: {  	_ =	swait.ge [sflag:s16], $0x200  }
0x51: {  	[sflag:s16] =	ssyncset.done $0x0  }
0x52: {  	[sflag:s16] =	ssyncadd.s32 $0xFFFFFE00  }
0x53: {  	_ =	swait.ge [sflag:s16], $0xA000  }
0x54: {  	[sflag:s16] =	ssyncset.done $0x0  }
0x55: {  	[sflag:s16] =	ssyncadd.s32 $0xFFFF6000  }
0x56: {  	[spmem:s2] =	stream.indirect.scatter.add.f32 [tilespmem:s15], [sflag:$0x2], $0x50, s3, s17, $0xb8;
	[tilespmem:$0x16A00] =	vst v63  }
0x57: {  	_ =	swait.ge [sflag:s14], $0x2800  }
0x58: {  	[sflag:s14] =	ssyncset.done $0x0  }
0x59: {  	[sflag:s14] =	ssyncadd.s32 $0xFFFFD800  }
0x5a: {  	[spmem:s2] =	stream.indirect.scatter.add.f32 [tilespmem:s18], [sflag:$0x2], $0x50, s17, s17, $0xb8;
	[tilespmem:$0x16A00] =	vst v63  }
0x5b: {  	_ =	swait.ge [sflag:s14], $0x2800  }
0x5c: {  	[sflag:s14] =	ssyncset.done $0x0  }
0x5d: {  	[sflag:s14] =	ssyncadd.s32 $0xFFFFD800  }
0x5e: {  	[spmem:s2] =	stream.indirect.scatter.add.f32 [tilespmem:s20], [sflag:$0x2], $0x50, s19, s17, $0xb8;
	[tilespmem:$0x16A00] =	vst v63  }
0x5f: {  	_ =	swait.ge [sflag:s14], $0x2800  }
0x60: {  	[sflag:s14] =	ssyncset.done $0x0  }
0x61: {  	[sflag:s14] =	ssyncadd.s32 $0xFFFFD800  }
0x62: {  	[spmem:s2] =	stream.indirect.scatter.add.f32 [tilespmem:s22], [sflag:$0x2], $0x50, s21, s17, $0xb8;
	[tilespmem:$0x16A00] =	vst v63  }
0x63: {  	_ =	swait.ge [sflag:s14], $0x2800  }
0x64: {  	[sflag:s14] =	ssyncset.done $0x0  }
0x65: {  	s23 =	sadd.s32 $0x1, s23;
	[sflag:s14] =	ssyncadd.s32 $0xFFFFD800  }
0x66: {  	p0 =	sne.s32 s23, s9;
	[bflag:$0x0] =	sbarrier.arrive $0xFFFF  }
0x67: {  	[hbm:s8], [sflag:s7] =	dma.local [spmem:s13], $0x1900  }
.Ltmp3:
0x68: {  	_ = 	snop;
	(pc) =	sbr.rel @p0 .LBB2_1-.Ltmp3, $4  }
.Ltmp4:
0x69: {  	_ = 	snop;
	(pc) =	sbr.rel @!p0 .LBB2_6-.Ltmp4, $4  }
0x6a: {  	_ =	swait.ge [sflag:s14], $0x1900  }
0x6b: {  	[sflag:s14] =	ssyncset.done $0x0  }
0x6c: {  	[sflag:s14] =	ssyncadd.s32 $0xFFFFE700  }
0x6d: {  	_ = 	snop  }
.LBB2_2:
.Ltmp5:
0x6e: {  	(pc) =	sbr.rel .LBB2_5-.Ltmp5, $2  }
0x6f: {  	_ =	sdelay $0x2  }
0x70: {  	s24 =	smov.u32 s12  }
.LBB2_6:
0x71: {  	_ =	sfence.sel $0x180000  }
0x72: {  	[bflag:$0x0] =	sbarrier.arrive $0xFFFF  }
0x73: {  	p0 =	sne.s32 s1, $0x0;
	_ =	strace $0x9000004D  }
0x74: {  	s0 =	sadd.s32 @!p0 $0x100000, s0;
	[bflag:$0x2] =	sbarrier.arrive $0xFFFF  }
0x75: {  	[sflag:s0] =	ssyncadd.tile.s32 @!p0 $0x1;
	_ =	shalt  }
.Lfunc_end2:
_tile_overlayer_lowered:
.L_overlay_start_2:
0x76: {  	(tag) =	ssettag $0x2  }
0x77: {  	s0 =	rddreg [dreg:$0x0];
	s2 =	stileid.u32  }
0x78: {  	s1 =	rddreg [dreg:$0x1];
	p0 =	sne.s32 s2, $0x0  }
0x79: {  	s3 =	rddreg [dreg:$0x2];
	[bflag:$0x3] =	sbarrier.arrive $0xFFFF;
	s2 =	simm.s32 @!p0 $0x1C02  }
0x7a: {  	[timem:s3], [sflag:s2] =	dma.local @!p0 [hbm:s0], s1  }
0x7b: {  	s0 =	simm.s32 @!p0 $0x2  }
0x7c: {  	_ =	swait.ge @!p0 [sflag:s0], s1  }
0x7d: {  	s1 =	ssub.s32 @!p0 $0x0, s1;
	[sflag:s0] =	ssyncset.done @!p0 $0x0  }
0x7e: {  	[sflag:s0] =	ssyncadd.s32 @!p0 s1  }
0x7f: {  	[bflag:$0x3] =	sbarrier.arrive $0xFFFF  }
0x80: {  	_ =	shalt  }

// kernel: kernel.8.cloned.1.call-start
scs
__scs_entry_jumppad:
0x0: {  	(pc) =	sbr.rel $0x88, $3  }
0x1: {  	(tag) =	ssettag $0x0;
	lr =	simm.s32 $0x1  }
0x2: {  	[smem:$0x3F8A] =	sst lr;
	_ =	strace $0xD0000000  }
0x3: {  	_ = 	snop  }
0x4: {  	_ = 	snop  }
0x5: {  	_ = 	snop  }
0x6: {  	_ = 	snop  }
0x7: {  	_ = 	snop  }
__scs_overlays_trampoline_lowered:
0x8: {  	[smem:$0x3F99] =	sst s0  }
0x9: {  	[smem:$0x3F9A] =	sst s1  }
0xa: {  	[smem:$0x3F9B] =	sst s2  }
0xb: {  	[smem:$0x3F9C] =	sst s3  }
0xc: {  	[smem:$0x3F9D] =	sst s4  }
0xd: {  	[smem:$0x3F9E] =	sst s5  }
0xe: {  	[smem:$0x3F9F] =	sst s6  }
0xf: {  	[smem:$0x3FA0] =	sst s7  }
0x10: {  	[smem:$0x3FA1] =	sst s8  }
0x11: {  	[smem:$0x3FA2] =	sst s9;
	s0 =	simm.s32 @!p0 $0x0  }
0x12: {  	s1 =	sld [smem:$0x3F88];
	s0 =	simm.s32 @p0 $0x1  }
0x13: {  	[smem:$0x3FA3] =	sst s0;
	s0 =	simm.s32 @!p1 $0x0  }
0x14: {  	s2 =	sld [smem:$0x3F87];
	s0 =	simm.s32 @p1 $0x1  }
0x15: {  	[smem:$0x3FA4] =	sst s0;
	s0 =	simm.s32 @!p2 $0x0  }
0x16: {  	s3 =	sld [smem:$0x3FDB];
	s0 =	simm.s32 @p2 $0x1  }
0x17: {  	s4 =	simm.s32 $0x1BF5;
	[smem:$0x3FA6] =	sst s0  }
0x18: {  	s0 =	sld [smem:$0x3F89];
	_ =	swait.ge [sflag:s4], $0x0  }
0x19: {  	s7 =	sld [smem:$0x3F8A]  }
0x1a: {  	s8 =	sadd.s32 $0xFFFFE003, lr  }
0x1b: {  	s9 =	sadd.s32 $0xFFFFFEF7, lr;
	s5 =	simm.s32 $0xFFFFFFFF;
	p2 =	slt.u32 s8, $0xFFFFF086  }
0x1c: {  	p1 =	slt.u32 s9, $0xF7A;
	s5 =	simm.s32 @!p2 $0x0  }
0x1d: {  	s5 =	simm.s32 @p1 $0x1;
	p0 =	seq.s32 s7, s2  }
0x1e: {  	s7 =	smul.u32 @!p0 $0xF7A, s2;
	p2 =	seq.s32 @!p0 s5, $0x0  }
0x1f: {  	s9 =	smul.u32 $0xF7A, s1;
	s8 =	simm.s32 @!p0 $0x1BF5;
	p2 =	por !p2, p0  }
0x20: {  	[sflag:s8] =	ssyncset.s32 @!p0 $0xFFFFF086;
	s6 =	sadd.s32 @!p0 s3, s7;
	s7 =	simm.s32 @!p0 $0x108  }
0x21: {  	s3 =	sadd.s32 s3, s9;
	s6 =	sadd.s32 @!p0 $0x88, s6;
	s7 =	simm.s32 @p2 $0x1082  }
0x22: {  	[simem:s7], [sflag:s8] =	dma.local @!p0 [hbm:s6], $0xF7A  }
0x23: {  	s9 =	sor.u32 $0xD0000000, s2;
	s6 =	simm.s32 $0x108;
	_ =	swait.ge @!p0 [sflag:s8], $0x0  }
0x24: {  	s3 =	sadd.s32 $0x88, s3;
	s6 =	simm.s32 @!p1 $0x1082;
	[sflag:s4] =	ssyncset.s32 $0xFFFFF086  }
0x25: {  	[simem:s6], [sflag:s4] =	dma.local [hbm:s3], $0xF7A  }
0x26: {  	[smem:$0x3F8A] =	sst s1;
	(tag) =	ssettag s2;
	_ =	strace s9  }
0x27: {  	s1 =	sld [smem:$0x3F9A]  }
0x28: {  	s2 =	sld [smem:$0x3F9B]  }
0x29: {  	s4 =	sld [smem:$0x3F9D]  }
0x2a: {  	p0 =	seq.s32 s5, $0x0;
	s5 =	sld [smem:$0x3F9E]  }
0x2b: {  	s6 =	sld [smem:$0x3F9F]  }
0x2c: {  	s7 =	sld [smem:$0x3FA0]  }
0x2d: {  	s3 =	simm.s32 $0x108;
	s8 =	sld [smem:$0x3FA1]  }
0x2e: {  	s3 =	simm.s32 @!p0 $0x1082;
	s9 =	sld [smem:$0x3FA2]  }
0x2f: {  	lr =	sadd.s32 s0, s3;
	s0 =	sld [smem:$0x3F99]  }
0x30: {  	s3 =	sld [smem:$0x3F9C]  }
0x31: {  	[smem:$0x3FA5] =	sst s10  }
0x32: {  	s10 =	sld [smem:$0x3FA3];
	_ =	sdelay $0x3  }
0x33: {  	p0 =	seq.s32 s10, $0x1;
	s10 =	sld [smem:$0x3FA5];
	_ =	sdelay $0x3  }
0x34: {  	[smem:$0x3FA5] =	sst s10  }
0x35: {  	s10 =	sld [smem:$0x3FA4];
	_ =	sdelay $0x3  }
0x36: {  	p1 =	seq.s32 s10, $0x1;
	s10 =	sld [smem:$0x3FA5];
	_ =	sdelay $0x3  }
0x37: {  	[smem:$0x3FA5] =	sst s10  }
0x38: {  	s10 =	sld [smem:$0x3FA6]  }
0x39: {  	_ = 	snop;
	(pc) =	sbr.ind lr, $3  }
0x3a: {  	_ = 	snop  }
0x3b: {  	_ = 	snop  }
0x3c: {  	p2 =	seq.s32 s10, $0x1;
	s10 =	sld [smem:$0x3FA5]  }
0x3d: {  	_ =	shalt  }
0x3e: {  	_ =	shalt  }
0x3f: {  	_ =	shalt  }
0x40: {  	_ =	shalt  }
0x41: {  	_ =	shalt  }
0x42: {  	_ =	shalt  }
0x43: {  	_ =	shalt  }
0x44: {  	_ =	shalt  }
0x45: {  	_ =	shalt  }
0x46: {  	_ =	shalt  }
0x47: {  	_ =	shalt  }
0x48: {  	_ =	shalt  }
0x49: {  	_ =	shalt  }
0x4a: {  	_ =	shalt  }
0x4b: {  	_ =	shalt  }
0x4c: {  	_ =	shalt  }
0x4d: {  	_ =	shalt  }
0x4e: {  	_ =	shalt  }
0x4f: {  	_ =	shalt  }
0x50: {  	_ =	shalt  }
0x51: {  	_ =	shalt  }
0x52: {  	_ =	shalt  }
0x53: {  	_ =	shalt  }
0x54: {  	_ =	shalt  }
0x55: {  	_ =	shalt  }
0x56: {  	_ =	shalt  }
0x57: {  	_ =	shalt  }
0x58: {  	_ =	shalt  }
0x59: {  	_ =	shalt  }
0x5a: {  	_ =	shalt  }
0x5b: {  	_ =	shalt  }
0x5c: {  	_ =	shalt  }
0x5d: {  	_ =	shalt  }
0x5e: {  	_ =	shalt  }
0x5f: {  	_ =	shalt  }
0x60: {  	_ =	shalt  }
0x61: {  	_ =	shalt  }
0x62: {  	_ =	shalt  }
0x63: {  	_ =	shalt  }
0x64: {  	_ =	shalt  }
0x65: {  	_ =	shalt  }
0x66: {  	_ =	shalt  }
0x67: {  	_ =	shalt  }
0x68: {  	_ =	shalt  }
0x69: {  	_ =	shalt  }
0x6a: {  	_ =	shalt  }
0x6b: {  	_ =	shalt  }
0x6c: {  	_ =	shalt  }
0x6d: {  	_ =	shalt  }
0x6e: {  	_ =	shalt  }
0x6f: {  	_ =	shalt  }
0x70: {  	_ =	shalt  }
0x71: {  	_ =	shalt  }
0x72: {  	_ =	shalt  }
0x73: {  	_ =	shalt  }
0x74: {  	_ =	shalt  }
0x75: {  	_ =	shalt  }
0x76: {  	_ =	shalt  }
0x77: {  	_ =	shalt  }
0x78: {  	_ =	shalt  }
0x79: {  	_ =	shalt  }
0x7a: {  	_ =	shalt  }
0x7b: {  	_ =	shalt  }
0x7c: {  	_ =	shalt  }
0x7d: {  	_ =	shalt  }
0x7e: {  	_ =	shalt  }
0x7f: {  	_ =	shalt  }
0x80: {  	_ =	shalt  }
0x81: {  	_ =	shalt  }
0x82: {  	_ =	shalt  }
0x83: {  	_ =	shalt  }
0x84: {  	_ =	shalt  }
0x85: {  	_ =	shalt  }
0x86: {  	_ =	shalt  }
0x87: {  	_ =	shalt  }
.Lfunc_end0:
.L_simem_size_0:
called_computation_lowered:
.L_overlay_start_0:
0x88: {  	s2 =	sld [smem:$0x3FD9]  }
0x89: {  	s3 =	sld [smem:$0x3FFE];
	_ =	sdelay $0x1  }
0x8a: {  	s1 =	srdreg.scid  }
0x8b: {  	s0 =	sand.u32 $0x1, s1  }
0x8c: {  	s15 =	sshll.u32 s0, $0xA;
	s2 =	sadd.s32 s3, s2  }
0x8d: {  	s2 =	sadd.s32 s2, s15  }
0x8e: {  	[smem:$0x3FB1] =	sst s2  }
0x8f: {  	_ = 	snop  }
0x90: {  	s2 =	sld [smem:$0x3FD0];
	_ =	sdelay $0x2  }
0x91: {  	s4 =	simm.s32 $0xB;
	s16 =	simm.s32 $0x10  }
0x92: {  	[smem:s16], [sflag:s4] =	dma.local [hbm:s2], $0x1  }
0x93: {  	_ =	swait.eq [sflag:s4], $0x1  }
0x94: {  	[sflag:s4] =	ssyncset.done $0x0  }
0x95: {  	s17 =	sld [smem:$0x10];
	[sflag:s4] =	ssyncadd.s32 $0xFFFFFFFF  }
0x96: {  	s18 =	sld [smem:$0x11];
	(tm) =	ssettm $0x1  }
0x97: {  	s19 =	sld [smem:$0x3FFB];
	_ =	sdelay $0x3  }
0x98: {  	_ =	strace s19  }
0x99: {  	s2 =	sld [smem:$0x3FFC];
	_ =	sdelay $0x3  }
0x9a: {  	_ =	strace s2  }
0x9b: {  	s2 =	sld [smem:$0x3FFD];
	_ =	sdelay $0x3  }
0x9c: {  	_ =	strace s2  }
0x9d: {  	_ =	strace $0x8FFFFFFF  }
0x9e: {  	s20 =	sld [smem:$0x3FDB];
	_ =	sdelay $0x1  }
0x9f: {  	s5 =	simm.s32 $_scs_section_size  }
0xa0: {  	s6 =	simm.s32 $_size__tile_overlayer_lowered;
	s7 =	simm.s32 $_tile_overlayer_lowered  }
0xa1: {  	s8 =	simm.s32 $0x1BFF;
	s21 =	sshll.u32 s7, $0x1;
	s5 =	sadd.s32 s5, s20  }
0xa2: {  	s22 =	simm.s32 $0x0;
	s6 =	sshll.u32 s6, $0x1;
	s7 =	sadd.s32 s21, s5  }
0xa3: {  	[timem:s22], [sflag:s8] =	dma.local [hbm:s7], s6  }
0xa4: {  	_ =	swait.ge [sflag:s8], s6  }
0xa5: {  	s6 =	ssub.s32 $0x0, s6;
	[sflag:s8] =	ssyncset.done $0x0  }
0xa6: {  	[sflag:s8] =	ssyncadd.s32 s6;
	_ =	sdelay $0x1  }
0xa7: {  	s23 =	simm.s32 $0x1B8B  }
0xa8: {  	_ =	swait.ge [sflag:s23], $0x1  }
0xa9: {  	[sflag:s23] =	ssyncset.done $0x0  }
0xaa: {  	[sflag:s23] =	ssyncadd.s32 $0xFFFFFFFF  }
0xab: {  	s6 =	sld [smem:$0x0]  }
0xac: {  	s7 =	sand.u32 $0xFFFFFFFE, s1  }
0xad: {  	p0 =	sne.s32 s1, s7  }
0xae: {  	s7 =	sshll.u32 @p0 s7, $0xE  }
0xaf: {  	s7 =	sadd.s32 @p0 $0x11B8D, s7;
	s8 =	sshll.u32 @p0 s6, $0x11  }
0xb0: {  	s7 =	sor.u32 @p0 s8, s7  }
0xb1: {  	[sflag:s7] =	ssyncadd.remote.s32 @p0 $0x1;
	_ =	sdelay $0x1  }
0xb2: {  	s7 =	simm.s32 @p0 $0x1B8D  }
0xb3: {  	_ =	swait.eq @p0 [sflag:s7], $0x1  }
0xb4: {  	[sflag:s7] =	ssyncadd.s32 @p0 $0xFFFFFFFF  }
0xb5: {  	s8 =	sshll.u32 @!p0 s1, $0xE  }
0xb6: {  	s8 =	sor.u32 @!p0 $0x4000, s8;
	s7 =	simm.s32 @!p0 $0x1B8D  }
0xb7: {  	s6 =	sshll.u32 @!p0 s6, $0x11;
	s8 =	sadd.s32 @!p0 $0x11B8D, s8;
	_ =	swait.eq @!p0 [sflag:s7], $0x1  }
0xb8: {  	s6 =	sor.u32 @!p0 s6, s8;
	[sflag:s7] =	ssyncadd.s32 @!p0 $0xFFFFFFFF  }
0xb9: {  	s25 =	simm.s32 $0x1B8E;
	s24 =	sld [smem:$0x3FFE];
	[sflag:s6] =	ssyncadd.remote.s32 @!p0 $0x1  }
0xba: {  	s26 =	simm.s32 $execute0_lowered;
	[smem:$0x3FD2] =	sst s25  }
0xbb: {  	s7 =	sshll.u32 s26, $0x1;
	_ =	strace $0x80000049;
	[dreg:$0x1] =	wrdreg $0xFFFFFFFF  }
0xbc: {  	s28 =	simm.s32 $_size_execute0_lowered;
	s5 =	sadd.s32 s5, s7;
	[dreg:$0x0] =	wrdreg $0x0  }
0xbd: {  	s7 =	sshll.u32 s28, $0x1;
	[dreg:$0x2] =	wrdreg s5  }
0xbe: {  	[dreg:$0x3] =	wrdreg s7  }
0xbf: {  	[dreg:$0x4] =	wrdreg $0xC0  }
0xc0: {  	_ =	task [dreg:s22], $0x5FFFF  }
0xc1: {  	[dreg:$0x1] =	wrdreg $0xFFFFFFFF  }
0xc2: {  	[dreg:$0x0] =	wrdreg $0x60  }
0xc3: {  	[dreg:$0x2] =	wrdreg s17  }
0xc4: {  	[dreg:$0x3] =	wrdreg s18  }
0xc5: {  	[dreg:$0x4] =	wrdreg s24  }
0xc6: {  	[dreg:$0x5] =	wrdreg $0x9  }
0xc7: {  	_ =	task.clear_ibuf [dreg:s22], $0x6FFFF;
	_ =	strace $0x90000049  }
0xc8: {  	s29 =	simm.s32 $0x9;
	_ =	strace $0x8000004B  }
0xc9: {  	_ =	swait.ge [sflag:s29], $0x1  }
0xca: {  	[sflag:s29] =	ssyncadd.s32 $0xFFFFFFFF  }
0xcb: {  	_ =	strace $0x9000004B  }
0xcc: {  	_ =	sfence  }
0xcd: {  	s30 =	sld [smem:$0x0];
	_ =	sdelay $0x2  }
0xce: {  	s31 =	sshll.u32 s1, $0xD;
	s1 =	sshrl.u32 s1, $0x2  }
0xcf: {  	s4 =	sand.u32 $0x4000, s31;
	s1 =	sadd.s32 s1, s30  }
0xd0: {  	s0 =	sor.u32 s4, s0;
	s1 =	sshll.u32 s1, $0x11  }
0xd1: {  	s0 =	sor.u32 s1, s0  }
0xd2: {  	s0 =	sadd.s32 $0x8F2B, s0  }
0xd3: {  	[sflag:s0] =	ssyncadd.remote.s32 $0x1  }
0xd4: {  	_ =	sfence.sel $0xFFFF  }
0xd5: {  	[dreg:$0x0] =	wrdreg $0xFFFFFFFF;
	(pc) =	sbr.abs _section_cstart, $3  }
0xd6: {  	[dreg:$0x1] =	wrdreg $0xFFFFFFFF  }
0xd7: {  	_ =	task.clear_ibuf [dreg:s22], $0x2FFFF;
	_ =	strace $0x9FFFFFFF  }
0xd8: {  	(tm) =	ssettm $0x7FFFFFFF  }
0xd9: {  	_ =	shalt  }
tec
execute0_lowered:
.L_overlay_start_1:
0x0: {  	(tag) =	ssettag $0x1  }
0x1: {  	s1 =	rddreg [dreg:$0x0]  }
0x2: {  	s2 =	rddreg [dreg:$0x1]  }
0x3: {  	s7 =	rddreg [dreg:$0x2];
	s3 =	srdreg.scid  }
0x4: {  	s0 =	rddreg [dreg:$0x3];
	s4 =	simm.s32 $0x0;
	s12 =	simm.s32 $0x80  }
0x5: {  	s13 =	simm.s32 $0x200;
	s14 =	simm.s32 $0x4200;
	s15 =	simm.s32 $0x100  }
0x6: {  	s16 =	simm.s32 $0x8200;
	s17 =	simm.s32 $0x180;
	s18 =	simm.s32 $0xC200  }
0x7: {  	s19 =	simm.s32 $0x0;
	s5 =	sand.u32 $0x1, s3;
	[smem:$0x7FF] =	sst s4  }
0x8: {  	s3 =	stileid.u32;
	s7 =	sadd.s32 $0x17A800, s7;
	s8 =	ssub.s32 $0x2, s5  }
0x9: {  	_ =	strace $0x8000004A;
	s6 =	sshll.u32 s3, $0x1;
	s10 =	sshll.u32 s3, $0xE  }
0xa: {  	s11 =	sshll.u32 s5, $0xD;
	s9 =	sshrl.u32 s8, $0x1;
	s31 =	sor.u32 s6, s5  }
0xb: {  	s10 =	sor.u32 s11, s10;
	s8 =	ssub.s32 s8, s9;
	s9 =	ssub.s32 $0x290, s31  }
0xc: {  	s11 =	simm.s32 $0x1;
	s8 =	smax.u32 s8, $0x1;
	s9 =	sshrl.u32 s9, $0x5  }
.LBB2_1:
0xd: {  	p1 =	sne.s32 s9, $0x1  }
.Ltmp0:
0xe: {  	_ = 	snop;
	(pc) =	sbr.rel @!p1 .LBB2_2-.Ltmp0, $4  }
0xf: {  	_ = 	snop  }
0x10: {  	s20 =	sand.u32 $0x7FFFFE, s6  }
0x11: {  	s21 =	sor.u32 s5, s20  }
0x12: {  	p0 =	por $0x0, $0x0;
	s20 =	sadd.s32 $0xFFFFFFFF, s9;
	s23 =	sshll.u32 s21, $0x6  }
0x13: {  	s21 =	sadd.s32 s2, s23  }
0x14: {  	[tilespmem:s4], [sflag:$0x1] =	stream.linear.gather [hbm4b:s21+s4], $0x200, $0x38;
	[tilespmem:$0x10200] =	vst v63  }
0x15: {  	_ =	swait.ge [sflag:s11], $0x200  }
0x16: {  	[sflag:s11] =	ssyncset.done $0x0  }
0x17: {  	[sflag:s11] =	ssyncadd.s32 $0xFFFFFE00  }
0x18: {  	[tilespmem:s13], [sflag:$0x1] =	stream.indirect.gather [hbm4b:s1+s12], $0x80, s4, s12, $0xb8;
	[tilespmem:$0x10200] =	vst v63  }
0x19: {  	_ = 	snop  }
0x1a: {  	[tilespmem:s14], [sflag:$0x1] =	stream.indirect.gather [hbm4b:s1+s12], $0x80, s12, s12, $0xb8;
	[tilespmem:$0x10200] =	vst v63  }
0x1b: {  	_ = 	snop  }
0x1c: {  	[tilespmem:s16], [sflag:$0x1] =	stream.indirect.gather [hbm4b:s1+s12], $0x80, s15, s12, $0xb8;
	[tilespmem:$0x10200] =	vst v63  }
0x1d: {  	_ = 	snop  }
0x1e: {  	[tilespmem:s18], [sflag:$0x1] =	stream.indirect.gather [hbm4b:s1+s12], $0x80, s17, s12, $0xb8;
	[tilespmem:$0x10200] =	vst v63  }
0x1f: {  	_ =	swait.ge [sflag:s11], $0x4000  }
0x20: {  	[sflag:s11] =	ssyncset.done $0x0  }
0x21: {  	[sflag:s11] =	ssyncadd.s32 $0xFFFFC000  }
0x22: {  	_ =	swait.ge [sflag:s11], $0x4000  }
0x23: {  	[sflag:s11] =	ssyncset.done $0x0  }
0x24: {  	[sflag:s11] =	ssyncadd.s32 $0xFFFFC000  }
0x25: {  	_ =	swait.ge [sflag:s11], $0x4000  }
0x26: {  	[sflag:s11] =	ssyncset.done $0x0  }
0x27: {  	p1 =	sne.s32 s20, $0x1;
	[sflag:s11] =	ssyncadd.s32 $0xFFFFC000  }
0x28: {  	s22 =	sand.u32 $0x1FFFE000, s10;
	s21 =	sadd.s32 $0x20, s6;
	_ =	swait.ge [sflag:s11], $0x4000  }
.Ltmp1:
0x29: {  	s30 =	sand.u32 $0x7FFFFE, s21;
	[sflag:s11] =	ssyncset.done $0x0;
	(pc) =	sbr.rel @!p1 .LBB2_4-.Ltmp1, $4  }
0x2a: {  	s22 =	sadd.s32 s7, s22;
	s31 =	sor.u32 s5, s30;
	[sflag:s11] =	ssyncadd.s32 $0xFFFFC000  }
0x2b: {  	[hbm4b:s22+s4] =	stream.linear.scatter [tilespmem:s13], [sflag:$0x1], $0x10000, $0x38;
	[tilespmem:$0x10200] =	vst v63  }
0x2c: {  	p0 =	por $0x1, $0x1;
	s23 =	sshll.u32 s31, $0x6;
	_ =	swait.ge [sflag:s11], $0x10000  }
0x2d: {  	s22 =	sadd.s32 $0xFFFFFFFF, s20;
	s20 =	smov.u32 s10;
	[sflag:s11] =	ssyncset.done $0x0  }
.LBB2_5:
0x2e: {  	s23 =	sadd.s32 s2, s23;
	[sflag:s11] =	ssyncadd.s32 $0xFFFF0000;
	s20 =	sadd.s32 $0x40000, s20  }
0x2f: {  	[tilespmem:s4], [sflag:$0x1] =	stream.linear.gather [hbm4b:s23+s4], $0x200, $0x38;
	[tilespmem:$0x10200] =	vst v63  }
0x30: {  	p1 =	sne.s32 s22, $0x1;
	s22 =	sadd.s32 $0xFFFFFFFF, s22;
	_ =	swait.ge [sflag:s11], $0x200  }
0x31: {  	[sflag:s11] =	ssyncset.done $0x0  }
0x32: {  	[sflag:s11] =	ssyncadd.s32 $0xFFFFFE00  }
0x33: {  	[tilespmem:s13], [sflag:$0x1] =	stream.indirect.gather [hbm4b:s1+s12], $0x80, s4, s12, $0xb8;
	[tilespmem:$0x10200] =	vst v63  }
0x34: {  	_ = 	snop  }
0x35: {  	[tilespmem:s14], [sflag:$0x1] =	stream.indirect.gather [hbm4b:s1+s12], $0x80, s12, s12, $0xb8;
	[tilespmem:$0x10200] =	vst v63  }
0x36: {  	_ = 	snop  }
0x37: {  	[tilespmem:s16], [sflag:$0x1] =	stream.indirect.gather [hbm4b:s1+s12], $0x80, s15, s12, $0xb8;
	[tilespmem:$0x10200] =	vst v63  }
0x38: {  	_ = 	snop  }
0x39: {  	[tilespmem:s18], [sflag:$0x1] =	stream.indirect.gather [hbm4b:s1+s12], $0x80, s17, s12, $0xb8;
	[tilespmem:$0x10200] =	vst v63  }
0x3a: {  	_ =	swait.ge [sflag:s11], $0x4000  }
0x3b: {  	[sflag:s11] =	ssyncset.done $0x0  }
0x3c: {  	[sflag:s11] =	ssyncadd.s32 $0xFFFFC000  }
0x3d: {  	_ =	swait.ge [sflag:s11], $0x4000  }
0x3e: {  	[sflag:s11] =	ssyncset.done $0x0  }
0x3f: {  	[sflag:s11] =	ssyncadd.s32 $0xFFFFC000  }
0x40: {  	_ =	swait.ge [sflag:s11], $0x4000  }
0x41: {  	[sflag:s11] =	ssyncset.done $0x0  }
0x42: {  	[sflag:s11] =	ssyncadd.s32 $0xFFFFC000  }
0x43: {  	s21 =	sadd.s32 $0x20, s21;
	_ =	swait.ge [sflag:s11], $0x4000  }
.Ltmp2:
0x44: {  	s23 =	sand.u32 $0x1FFFE000, s20;
	[sflag:s11] =	ssyncset.done $0x0;
	(pc) =	sbr.rel @p1 .LBB2_5-.Ltmp2, $4  }
0x45: {  	s24 =	sand.u32 $0x7FFFFE, s21;
	s23 =	sadd.s32 s7, s23;
	[sflag:s11] =	ssyncadd.s32 $0xFFFFC000  }
0x46: {  	[hbm4b:s23+s4] =	stream.linear.scatter [tilespmem:s13], [sflag:$0x1], $0x10000, $0x38;
	[tilespmem:$0x10200] =	vst v63  }
0x47: {  	s23 =	sor.u32 s5, s24;
	_ =	swait.ge [sflag:s11], $0x10000  }
0x48: {  	s23 =	sshll.u32 s23, $0x6;
	[sflag:s11] =	ssyncset.done $0x0  }
.LBB2_6:
0x49: {  	s21 =	sadd.s32 s2, s23;
	[sflag:s11] =	ssyncadd.s32 @p0 $0xFFFF0000  }
0x4a: {  	[tilespmem:s4], [sflag:$0x1] =	stream.linear.gather [hbm4b:s21+s4], $0x200, $0x38;
	[tilespmem:$0x10200] =	vst v63  }
0x4b: {  	_ =	swait.ge [sflag:s11], $0x200  }
0x4c: {  	[sflag:s11] =	ssyncset.done $0x0  }
0x4d: {  	[sflag:s11] =	ssyncadd.s32 $0xFFFFFE00  }
0x4e: {  	[tilespmem:s13], [sflag:$0x1] =	stream.indirect.gather [hbm4b:s1+s12], $0x80, s4, s12, $0xb8;
	[tilespmem:$0x10200] =	vst v63  }
0x4f: {  	_ = 	snop  }
0x50: {  	[tilespmem:s14], [sflag:$0x1] =	stream.indirect.gather [hbm4b:s1+s12], $0x80, s12, s12, $0xb8;
	[tilespmem:$0x10200] =	vst v63  }
0x51: {  	_ = 	snop  }
0x52: {  	[tilespmem:s16], [sflag:$0x1] =	stream.indirect.gather [hbm4b:s1+s12], $0x80, s15, s12, $0xb8;
	[tilespmem:$0x10200] =	vst v63  }
0x53: {  	_ = 	snop  }
0x54: {  	[tilespmem:s18], [sflag:$0x1] =	stream.indirect.gather [hbm4b:s1+s12], $0x80, s17, s12, $0xb8;
	[tilespmem:$0x10200] =	vst v63  }
0x55: {  	_ =	swait.ge [sflag:s11], $0x4000  }
0x56: {  	[sflag:s11] =	ssyncset.done $0x0  }
0x57: {  	[sflag:s11] =	ssyncadd.s32 $0xFFFFC000  }
0x58: {  	_ =	swait.ge [sflag:s11], $0x4000  }
0x59: {  	[sflag:s11] =	ssyncset.done $0x0  }
0x5a: {  	[sflag:s11] =	ssyncadd.s32 $0xFFFFC000  }
0x5b: {  	_ =	swait.ge [sflag:s11], $0x4000  }
0x5c: {  	[sflag:s11] =	ssyncset.done $0x0  }
0x5d: {  	s20 =	sadd.s32 @p0 $0x40000, s20;
	s21 =	smov.u32 s10;
	[sflag:s11] =	ssyncadd.s32 $0xFFFFC000  }
0x5e: {  	s21 =	smov.u32 @p0 s20;
	_ =	swait.ge [sflag:s11], $0x4000  }
0x5f: {  	s19 =	sadd.s32 $0x1, s19;
	s20 =	sand.u32 $0x1FFFE000, s21;
	[sflag:s11] =	ssyncset.done $0x0  }
0x60: {  	p0 =	sne.s32 s19, s8;
	s20 =	sadd.s32 s7, s20;
	[sflag:s11] =	ssyncadd.s32 $0xFFFFC000  }
0x61: {  	[hbm4b:s20+s4] =	stream.linear.scatter [tilespmem:s13], [sflag:$0x1], $0x10000, $0x38;
	[tilespmem:$0x10200] =	vst v63  }
.Ltmp3:
0x62: {  	_ = 	snop;
	(pc) =	sbr.rel @p0 .LBB2_1-.Ltmp3, $4  }
.Ltmp4:
0x63: {  	_ = 	snop;
	(pc) =	sbr.rel @!p0 .LBB2_7-.Ltmp4, $4  }
0x64: {  	_ =	swait.ge [sflag:s11], $0x10000  }
0x65: {  	[sflag:s11] =	ssyncset.done $0x0  }
0x66: {  	[sflag:s11] =	ssyncadd.s32 $0xFFFF0000  }
0x67: {  	_ = 	snop  }
.LBB2_2:
.Ltmp5:
0x68: {  	(pc) =	sbr.rel .LBB2_6-.Ltmp5, $2  }
0x69: {  	_ =	sdelay $0x2  }
0x6a: {  	s20 =	smov.u32 s10  }
.LBB2_4:
.Ltmp6:
0x6b: {  	(pc) =	sbr.rel .LBB2_6-.Ltmp6, $2  }
0x6c: {  	_ =	sdelay $0x2  }
0x6d: {  	s20 =	smov.u32 s10  }
.LBB2_7:
0x6e: {  	_ =	sfence.sel $0x180000  }
0x6f: {  	[bflag:$0x0] =	sbarrier.arrive $0xFFFF  }
0x70: {  	p0 =	sne.s32 s3, $0x0;
	_ =	strace $0x9000004A  }
0x71: {  	s0 =	sadd.s32 @!p0 $0x100000, s0;
	[bflag:$0x2] =	sbarrier.arrive $0xFFFF  }
0x72: {  	[sflag:s0] =	ssyncadd.tile.s32 @!p0 $0x1;
	_ =	shalt  }
.Lfunc_end2:
_tile_overlayer_lowered:
.L_overlay_start_2:
0x73: {  	(tag) =	ssettag $0x2  }
0x74: {  	s0 =	rddreg [dreg:$0x0];
	s2 =	stileid.u32  }
0x75: {  	s1 =	rddreg [dreg:$0x1];
	p0 =	sne.s32 s2, $0x0  }
0x76: {  	s3 =	rddreg [dreg:$0x2];
	[bflag:$0x3] =	sbarrier.arrive $0xFFFF;
	s2 =	simm.s32 @!p0 $0x1C02  }
0x77: {  	[timem:s3], [sflag:s2] =	dma.local @!p0 [hbm:s0], s1  }
0x78: {  	s0 =	simm.s32 @!p0 $0x2  }
0x79: {  	_ =	swait.ge @!p0 [sflag:s0], s1  }
0x7a: {  	s1 =	ssub.s32 @!p0 $0x0, s1;
	[sflag:s0] =	ssyncset.done @!p0 $0x0  }
0x7b: {  	[sflag:s0] =	ssyncadd.s32 @!p0 s1  }
0x7c: {  	[bflag:$0x3] =	sbarrier.arrive $0xFFFF  }
0x7d: {  	_ =	shalt  }

</sc_bundles>
